<compile_context>
chip_gen: v7x
topology: tpu7x:2x2x1
jax: 0.10.2.dev20260603
libtpu: 0.0.44.dev20260713+nightly
codegen_flags: <defaults>
</compile_context>

<pallas_src>
import jax
import jax.numpy as jnp
from jax.experimental import pallas as pl
from jax.experimental.pallas import tpu as pltpu

_NUM_CLASSES = 1000
_LANES = 1024
_FLAT_ROWS = 104000
_RB = 2000
_NBLK = _FLAT_ROWS // _RB


def _onehot_flat(tab_ref, out_ref, scratch_ref, sems):
    i = pl.program_id(0)
    slot = jax.lax.rem(i, 2)

    @pl.when(i >= 2)
    def _():
        pltpu.make_async_copy(
            scratch_ref.at[slot],
            out_ref.at[pl.ds((i - 2) * _RB, _RB)],
            sems.at[slot],
        ).wait()

    ta = tab_ref[:, 0:1]
    tb = tab_ref[:, 1:2]
    tc = tab_ref[:, 2:3]
    lane = jax.lax.broadcasted_iota(jnp.int32, (_RB, _LANES), 1)
    hot = (lane == ta) | (lane == tb) | (lane == tc)
    scratch_ref[slot] = hot.astype(jnp.float32)

    pltpu.make_async_copy(
        scratch_ref.at[slot],
        out_ref.at[pl.ds(i * _RB, _RB)],
        sems.at[slot],
    ).start()

    @pl.when(i == _NBLK - 1)
    def _():
        for q in (0, 1):
            pltpu.make_async_copy(
                scratch_ref.at[q],
                out_ref.at[pl.ds(0, _RB)],
                sems.at[q],
            ).wait()


def kernel(inputs):
    b, f = inputs.shape
    n = b * f

    idx = inputs.reshape(n).astype(jnp.int32)
    p = jnp.arange(n, dtype=jnp.int32) * _NUM_CLASSES + idx
    g = jnp.arange(_FLAT_ROWS, dtype=jnp.int32)
    ra = (g * _LANES) // _NUM_CLASSES
    rb = jnp.minimum(ra + 1, n - 1)
    rc = jnp.minimum(ra + 2, n - 1)
    ta = p[ra] - g * _LANES
    tb = p[rb] - g * _LANES
    tc = p[rc] - g * _LANES
    tab = jnp.stack([ta, tb, tc], axis=1)

    out = pl.pallas_call(
        _onehot_flat,
        grid=(_NBLK,),
        in_specs=[pl.BlockSpec((_RB, 3), lambda i: (i, 0))],
        out_specs=pl.BlockSpec(memory_space=pltpu.MemorySpace.HBM),
        out_shape=jax.ShapeDtypeStruct((_FLAT_ROWS, _LANES), jnp.float32),
        scratch_shapes=[
            pltpu.VMEM((2, _RB, _LANES), jnp.float32),
            pltpu.SemaphoreType.DMA((2,)),
        ],
    )(tab)
    return out.reshape(-1).reshape(b, f, _NUM_CLASSES)

# --- scband reference (transcript-rebuilt; emitter-appended) ---
"""Pipeline reference for scband-one-hot-encoding-layer-80539226735171 (READ-ONLY COPY).

The authoritative reference and input builder live on the scoring server;
editing this copy changes nothing except your own understanding.
"""

import jax, jax.numpy as jnp
import numpy as np

NUM_CLASSES = 1000

def setup_inputs(seed: int = 0) -> dict:
    key = jax.random.key(seed)
    inputs = jax.random.randint(key, (4096, 26), 0, NUM_CLASSES, dtype=jnp.int64 if jax.config.jax_enable_x64 else jnp.int32)
    return {"inputs": inputs}

def reference(inputs) -> jnp.ndarray:
    # Faithful translation of tf.one_hot(inputs, num_classes):
    # produces float32 one-hot of shape inputs.shape + (num_classes,)
    return jax.nn.one_hot(inputs, NUM_CLASSES, dtype=jnp.float32)

if __name__ == "__main__":
    import jax
    _d = setup_inputs()
    print(jax.jit(kernel)(*tuple(_d.values())))

</pallas_src>

<mosaic_0001>
module attributes {stable_mosaic.version = 14 : i64} {
  func.func @_onehot_flat(%arg0: i32, %arg1: memref<2000x3xi32, #tpu.memory_space<vmem>>, %arg2: memref<104000x1024xf32, #tpu.memory_space<hbm>>, %arg3: memref<2x2000x1024xf32, #tpu.memory_space<vmem>>, %arg4: memref<2x!tpu.dma_semaphore, #tpu.memory_space<semaphore_mem>>) attributes {dimension_semantics = [#tpu.dimension_semantics<arbitrary>], iteration_bounds = array<i64: 52>, scalar_prefetch = 0 : i64, scratch_operands = 2 : i64, tpu.core_type = #tpu.core_type<tc>, window_params = [{transform_indices = @transform_0, window_bounds = array<i64: 2000, 3>}, {}]} {
    %rem3A = arith.constant 2 : i32
    %rem3A_0 = arith.remsi %arg0, %rem3A : i32
    %ge3A = arith.constant 2 : i32
    %ge3A_1 = arith.cmpi sge, %arg0, %ge3A : i32
    %convert_element_type3A = arith.extui %ge3A_1 : i1 to i32
    %cond3A = arith.constant 0 : i32
    %cond3A_2 = arith.cmpi ne, %convert_element_type3A, %cond3A : i32
    scf.if %cond3A_2 {
      %sub3A = arith.constant 2 : i32
      %sub3A_37 = arith.subi %arg0, %sub3A : i32
      %mul3A_38 = arith.constant 2000 : i32
      %mul3A_39 = arith.muli %sub3A_37, %mul3A_38 : i32
      %dma_wait3A = tpu.memref_slice %arg4[%rem3A_0] : memref<2x!tpu.dma_semaphore, #tpu.memory_space<semaphore_mem>> -> memref<1x!tpu.dma_semaphore, #tpu.memory_space<semaphore_mem>>
      %dma_wait3A_40 = tpu.memref_squeeze %dma_wait3A : memref<1x!tpu.dma_semaphore, #tpu.memory_space<semaphore_mem>> -> memref<!tpu.dma_semaphore, #tpu.memory_space<semaphore_mem>>
      %dma_wait3A_41 = arith.constant 0 : i32
      %dma_wait3A_42 = tpu.memref_slice %arg2[%mul3A_39, %dma_wait3A_41] : memref<104000x1024xf32, #tpu.memory_space<hbm>> -> memref<2000x1024xf32, #tpu.memory_space<hbm>>
      %dma_wait3A_43 = arith.constant 0 : i32
      %dma_wait3A_44 = arith.constant 0 : i32
      %dma_wait3A_45 = tpu.memref_slice %arg3[%rem3A_0, %dma_wait3A_43, %dma_wait3A_44] : memref<2x2000x1024xf32, #tpu.memory_space<vmem>> -> memref<1x2000x1024xf32, #tpu.memory_space<vmem>>
      %dma_wait3A_46 = tpu.memref_squeeze %dma_wait3A_45 : memref<1x2000x1024xf32, #tpu.memory_space<vmem>> -> memref<2000x1024xf32, #tpu.memory_space<vmem>>
      tpu.wait_dma2 semaphore(%dma_wait3A_40 : memref<!tpu.dma_semaphore, #tpu.memory_space<semaphore_mem>>) src(%dma_wait3A_46 : memref<2000x1024xf32, #tpu.memory_space<vmem>>) dst(%dma_wait3A_42 : memref<2000x1024xf32, #tpu.memory_space<hbm>>)
    } else {
    }
    %get3A = arith.constant 0 : index
    %get3A_3 = arith.constant 0 : index
    %get3A_4 = vector.load %arg1[%get3A, %get3A_3] : memref<2000x3xi32, #tpu.memory_space<vmem>>, vector<2000x1xi32>
    %get3A_5 = arith.constant 0 : index
    %get3A_6 = arith.constant 1 : index
    %get3A_7 = vector.load %arg1[%get3A_5, %get3A_6] : memref<2000x3xi32, #tpu.memory_space<vmem>>, vector<2000x1xi32>
    %get3A_8 = arith.constant 0 : index
    %get3A_9 = arith.constant 2 : index
    %get3A_10 = vector.load %arg1[%get3A_8, %get3A_9] : memref<2000x3xi32, #tpu.memory_space<vmem>>, vector<2000x1xi32>
    %iota3A = tpu.iota {dimensions = array<i32: 1>} : vector<2000x1024xi32>
    %eq3A = vector.broadcast %get3A_4 : vector<2000x1xi32> to vector<2000x1024xi32>
    %eq3A_11 = arith.cmpi eq, %iota3A, %eq3A : vector<2000x1024xi32>
    %eq3A_12 = vector.broadcast %get3A_7 : vector<2000x1xi32> to vector<2000x1024xi32>
    %eq3A_13 = arith.cmpi eq, %iota3A, %eq3A_12 : vector<2000x1024xi32>
    %or3A = arith.ori %eq3A_11, %eq3A_13 : vector<2000x1024xi1>
    %eq3A_14 = vector.broadcast %get3A_10 : vector<2000x1xi32> to vector<2000x1024xi32>
    %eq3A_15 = arith.cmpi eq, %iota3A, %eq3A_14 : vector<2000x1024xi32>
    %or3A_16 = arith.ori %or3A, %eq3A_15 : vector<2000x1024xi1>
    %convert_element_type3A_17 = arith.extui %or3A_16 : vector<2000x1024xi1> to vector<2000x1024xi32>
    %convert_element_type3A_18 = arith.sitofp %convert_element_type3A_17 : vector<2000x1024xi32> to vector<2000x1024xf32>
    %swap3A = arith.index_cast %rem3A_0 : i32 to index
    %swap3A_19 = arith.constant 0 : index
    %swap3A_20 = arith.constant 0 : index
    %swap3A_21 = vector.load %arg3[%swap3A, %swap3A_19, %swap3A_20] : memref<2x2000x1024xf32, #tpu.memory_space<vmem>>, vector<1x2000x1024xf32>
    %swap3A_22 = vector.shape_cast %swap3A_21 : vector<1x2000x1024xf32> to vector<2000x1024xf32>
    %swap3A_23 = vector.shape_cast %convert_element_type3A_18 : vector<2000x1024xf32> to vector<1x2000x1024xf32>
    tpu.vector_store %arg3[%swap3A, %swap3A_19, %swap3A_20], %swap3A_23 {strides = array<i32>} : memref<2x2000x1024xf32, #tpu.memory_space<vmem>>, vector<1x2000x1024xf32>,
    %mul3A = arith.constant 2000 : i32
    %mul3A_24 = arith.muli %arg0, %mul3A : i32
    %dma_start3A = tpu.memref_slice %arg4[%rem3A_0] : memref<2x!tpu.dma_semaphore, #tpu.memory_space<semaphore_mem>> -> memref<1x!tpu.dma_semaphore, #tpu.memory_space<semaphore_mem>>
    %dma_start3A_25 = tpu.memref_squeeze %dma_start3A : memref<1x!tpu.dma_semaphore, #tpu.memory_space<semaphore_mem>> -> memref<!tpu.dma_semaphore, #tpu.memory_space<semaphore_mem>>
    %dma_start3A_26 = arith.constant 0 : i32
    %dma_start3A_27 = tpu.memref_slice %arg2[%mul3A_24, %dma_start3A_26] : memref<104000x1024xf32, #tpu.memory_space<hbm>> -> memref<2000x1024xf32, #tpu.memory_space<hbm>>
    %dma_start3A_28 = arith.constant 0 : i32
    %dma_start3A_29 = arith.constant 0 : i32
    %dma_start3A_30 = tpu.memref_slice %arg3[%rem3A_0, %dma_start3A_28, %dma_start3A_29] : memref<2x2000x1024xf32, #tpu.memory_space<vmem>> -> memref<1x2000x1024xf32, #tpu.memory_space<vmem>>
    %dma_start3A_31 = tpu.memref_squeeze %dma_start3A_30 : memref<1x2000x1024xf32, #tpu.memory_space<vmem>> -> memref<2000x1024xf32, #tpu.memory_space<vmem>>
    tpu.enqueue_dma source(%dma_start3A_31 : memref<2000x1024xf32, #tpu.memory_space<vmem>>) target(%dma_start3A_27 : memref<2000x1024xf32, #tpu.memory_space<hbm>>) target_semaphore(%dma_start3A_25 : memref<!tpu.dma_semaphore, #tpu.memory_space<semaphore_mem>>)
    %eq3A_32 = arith.constant 51 : i32
    %eq3A_33 = arith.cmpi eq, %arg0, %eq3A_32 : i32
    %convert_element_type3A_34 = arith.extui %eq3A_33 : i1 to i32
    %cond3A_35 = arith.constant 0 : i32
    %cond3A_36 = arith.cmpi ne, %convert_element_type3A_34, %cond3A_35 : i32
    scf.if %cond3A_36 {
      %dma_wait3A = arith.constant 0 : i32
      %dma_wait3A_37 = arith.constant 0 : i32
      %dma_wait3A_38 = tpu.memref_slice %arg4[%dma_wait3A_37] : memref<2x!tpu.dma_semaphore, #tpu.memory_space<semaphore_mem>> -> memref<1x!tpu.dma_semaphore, #tpu.memory_space<semaphore_mem>>
      %dma_wait3A_39 = tpu.memref_squeeze %dma_wait3A_38 : memref<1x!tpu.dma_semaphore, #tpu.memory_space<semaphore_mem>> -> memref<!tpu.dma_semaphore, #tpu.memory_space<semaphore_mem>>
      %dma_wait3A_40 = arith.constant 0 : i32
      %dma_wait3A_41 = arith.constant 0 : i32
      %dma_wait3A_42 = tpu.memref_slice %arg2[%dma_wait3A_40, %dma_wait3A_41] : memref<104000x1024xf32, #tpu.memory_space<hbm>> -> memref<2000x1024xf32, #tpu.memory_space<hbm>>
      %dma_wait3A_43 = arith.constant 0 : i32
      %dma_wait3A_44 = arith.constant 0 : i32
      %dma_wait3A_45 = tpu.memref_slice %arg3[%dma_wait3A, %dma_wait3A_43, %dma_wait3A_44] : memref<2x2000x1024xf32, #tpu.memory_space<vmem>> -> memref<1x2000x1024xf32, #tpu.memory_space<vmem>>
      %dma_wait3A_46 = tpu.memref_squeeze %dma_wait3A_45 : memref<1x2000x1024xf32, #tpu.memory_space<vmem>> -> memref<2000x1024xf32, #tpu.memory_space<vmem>>
      tpu.wait_dma2 semaphore(%dma_wait3A_39 : memref<!tpu.dma_semaphore, #tpu.memory_space<semaphore_mem>>) src(%dma_wait3A_46 : memref<2000x1024xf32, #tpu.memory_space<vmem>>) dst(%dma_wait3A_42 : memref<2000x1024xf32, #tpu.memory_space<hbm>>)
      %dma_wait3A_47 = arith.constant 1 : i32
      %dma_wait3A_48 = arith.constant 1 : i32
      %dma_wait3A_49 = tpu.memref_slice %arg4[%dma_wait3A_48] : memref<2x!tpu.dma_semaphore, #tpu.memory_space<semaphore_mem>> -> memref<1x!tpu.dma_semaphore, #tpu.memory_space<semaphore_mem>>
      %dma_wait3A_50 = tpu.memref_squeeze %dma_wait3A_49 : memref<1x!tpu.dma_semaphore, #tpu.memory_space<semaphore_mem>> -> memref<!tpu.dma_semaphore, #tpu.memory_space<semaphore_mem>>
      %dma_wait3A_51 = arith.constant 0 : i32
      %dma_wait3A_52 = arith.constant 0 : i32
      %dma_wait3A_53 = tpu.memref_slice %arg2[%dma_wait3A_51, %dma_wait3A_52] : memref<104000x1024xf32, #tpu.memory_space<hbm>> -> memref<2000x1024xf32, #tpu.memory_space<hbm>>
      %dma_wait3A_54 = arith.constant 0 : i32
      %dma_wait3A_55 = arith.constant 0 : i32
      %dma_wait3A_56 = tpu.memref_slice %arg3[%dma_wait3A_47, %dma_wait3A_54, %dma_wait3A_55] : memref<2x2000x1024xf32, #tpu.memory_space<vmem>> -> memref<1x2000x1024xf32, #tpu.memory_space<vmem>>
      %dma_wait3A_57 = tpu.memref_squeeze %dma_wait3A_56 : memref<1x2000x1024xf32, #tpu.memory_space<vmem>> -> memref<2000x1024xf32, #tpu.memory_space<vmem>>
      tpu.wait_dma2 semaphore(%dma_wait3A_50 : memref<!tpu.dma_semaphore, #tpu.memory_space<semaphore_mem>>) src(%dma_wait3A_57 : memref<2000x1024xf32, #tpu.memory_space<vmem>>) dst(%dma_wait3A_53 : memref<2000x1024xf32, #tpu.memory_space<hbm>>)
    } else {
    }
    return
  }
  func.func @transform_0(%arg0: i32) -> (i32, i32) {
    %c0_i32 = arith.constant 0 : i32
    %c0_i32_0 = arith.constant 0 : i32
    return %arg0, %c0_i32 : i32, i32
  }
}

</mosaic_0001>

<sc_bundles>
// kernel: gather_offload_async_start.1
scs
__scs_entry_jumppad:
0x0: {  	(pc) =	sbr.rel $0x88, $3  }
0x1: {  	(tag) =	ssettag $0x0;
	lr =	simm.s32 $0x1  }
0x2: {  	[smem:$0x3FA0] =	sst lr;
	_ =	strace $0xD0000000  }
0x3: {  	_ = 	snop  }
0x4: {  	_ = 	snop  }
0x5: {  	_ = 	snop  }
0x6: {  	_ = 	snop  }
0x7: {  	_ = 	snop  }
__scs_overlays_trampoline_lowered:
0x8: {  	[smem:$0x3FAF] =	sst s0  }
0x9: {  	[smem:$0x3FB0] =	sst s1  }
0xa: {  	[smem:$0x3FB1] =	sst s2  }
0xb: {  	[smem:$0x3FB2] =	sst s3  }
0xc: {  	[smem:$0x3FB3] =	sst s4  }
0xd: {  	[smem:$0x3FB4] =	sst s5  }
0xe: {  	[smem:$0x3FB5] =	sst s6  }
0xf: {  	[smem:$0x3FB6] =	sst s7  }
0x10: {  	[smem:$0x3FB7] =	sst s8  }
0x11: {  	[smem:$0x3FB8] =	sst s9;
	s0 =	simm.s32 @!p0 $0x0  }
0x12: {  	s1 =	sld [smem:$0x3F9E];
	s0 =	simm.s32 @p0 $0x1  }
0x13: {  	[smem:$0x3FB9] =	sst s0;
	s0 =	simm.s32 @!p1 $0x0  }
0x14: {  	s2 =	sld [smem:$0x3F9D];
	s0 =	simm.s32 @p1 $0x1  }
0x15: {  	[smem:$0x3FBA] =	sst s0;
	s0 =	simm.s32 @!p2 $0x0  }
0x16: {  	s3 =	sld [smem:$0x3FDB];
	s0 =	simm.s32 @p2 $0x1  }
0x17: {  	s4 =	simm.s32 $0x1BF5;
	[smem:$0x3FBC] =	sst s0  }
0x18: {  	s0 =	sld [smem:$0x3F9F];
	_ =	swait.ge [sflag:s4], $0x0  }
0x19: {  	s7 =	sld [smem:$0x3FA0]  }
0x1a: {  	s8 =	sadd.s32 $0xFFFFE003, lr  }
0x1b: {  	s9 =	sadd.s32 $0xFFFFFEF7, lr;
	s5 =	simm.s32 $0xFFFFFFFF;
	p2 =	slt.u32 s8, $0xFFFFF086  }
0x1c: {  	p1 =	slt.u32 s9, $0xF7A;
	s5 =	simm.s32 @!p2 $0x0  }
0x1d: {  	s5 =	simm.s32 @p1 $0x1;
	p0 =	seq.s32 s7, s2  }
0x1e: {  	s7 =	smul.u32 @!p0 $0xF7A, s2;
	p2 =	seq.s32 @!p0 s5, $0x0  }
0x1f: {  	s9 =	smul.u32 $0xF7A, s1;
	s8 =	simm.s32 @!p0 $0x1BF5;
	p2 =	por !p2, p0  }
0x20: {  	[sflag:s8] =	ssyncset.s32 @!p0 $0xFFFFF086;
	s6 =	sadd.s32 @!p0 s3, s7;
	s7 =	simm.s32 @!p0 $0x108  }
0x21: {  	s3 =	sadd.s32 s3, s9;
	s6 =	sadd.s32 @!p0 $0x88, s6;
	s7 =	simm.s32 @p2 $0x1082  }
0x22: {  	[simem:s7], [sflag:s8] =	dma.local @!p0 [hbm:s6], $0xF7A  }
0x23: {  	s9 =	sor.u32 $0xD0000000, s2;
	s6 =	simm.s32 $0x108;
	_ =	swait.ge @!p0 [sflag:s8], $0x0  }
0x24: {  	s3 =	sadd.s32 $0x88, s3;
	s6 =	simm.s32 @!p1 $0x1082;
	[sflag:s4] =	ssyncset.s32 $0xFFFFF086  }
0x25: {  	[simem:s6], [sflag:s4] =	dma.local [hbm:s3], $0xF7A  }
0x26: {  	[smem:$0x3FA0] =	sst s1;
	(tag) =	ssettag s2;
	_ =	strace s9  }
0x27: {  	s1 =	sld [smem:$0x3FB0]  }
0x28: {  	s2 =	sld [smem:$0x3FB1]  }
0x29: {  	s4 =	sld [smem:$0x3FB3]  }
0x2a: {  	p0 =	seq.s32 s5, $0x0;
	s5 =	sld [smem:$0x3FB4]  }
0x2b: {  	s6 =	sld [smem:$0x3FB5]  }
0x2c: {  	s7 =	sld [smem:$0x3FB6]  }
0x2d: {  	s3 =	simm.s32 $0x108;
	s8 =	sld [smem:$0x3FB7]  }
0x2e: {  	s3 =	simm.s32 @!p0 $0x1082;
	s9 =	sld [smem:$0x3FB8]  }
0x2f: {  	lr =	sadd.s32 s0, s3;
	s0 =	sld [smem:$0x3FAF]  }
0x30: {  	s3 =	sld [smem:$0x3FB2]  }
0x31: {  	[smem:$0x3FBB] =	sst s10  }
0x32: {  	s10 =	sld [smem:$0x3FB9];
	_ =	sdelay $0x3  }
0x33: {  	p0 =	seq.s32 s10, $0x1;
	s10 =	sld [smem:$0x3FBB];
	_ =	sdelay $0x3  }
0x34: {  	[smem:$0x3FBB] =	sst s10  }
0x35: {  	s10 =	sld [smem:$0x3FBA];
	_ =	sdelay $0x3  }
0x36: {  	p1 =	seq.s32 s10, $0x1;
	s10 =	sld [smem:$0x3FBB];
	_ =	sdelay $0x3  }
0x37: {  	[smem:$0x3FBB] =	sst s10  }
0x38: {  	s10 =	sld [smem:$0x3FBC]  }
0x39: {  	_ = 	snop;
	(pc) =	sbr.ind lr, $3  }
0x3a: {  	_ = 	snop  }
0x3b: {  	_ = 	snop  }
0x3c: {  	p2 =	seq.s32 s10, $0x1;
	s10 =	sld [smem:$0x3FBB]  }
0x3d: {  	_ =	shalt  }
0x3e: {  	_ =	shalt  }
0x3f: {  	_ =	shalt  }
0x40: {  	_ =	shalt  }
0x41: {  	_ =	shalt  }
0x42: {  	_ =	shalt  }
0x43: {  	_ =	shalt  }
0x44: {  	_ =	shalt  }
0x45: {  	_ =	shalt  }
0x46: {  	_ =	shalt  }
0x47: {  	_ =	shalt  }
0x48: {  	_ =	shalt  }
0x49: {  	_ =	shalt  }
0x4a: {  	_ =	shalt  }
0x4b: {  	_ =	shalt  }
0x4c: {  	_ =	shalt  }
0x4d: {  	_ =	shalt  }
0x4e: {  	_ =	shalt  }
0x4f: {  	_ =	shalt  }
0x50: {  	_ =	shalt  }
0x51: {  	_ =	shalt  }
0x52: {  	_ =	shalt  }
0x53: {  	_ =	shalt  }
0x54: {  	_ =	shalt  }
0x55: {  	_ =	shalt  }
0x56: {  	_ =	shalt  }
0x57: {  	_ =	shalt  }
0x58: {  	_ =	shalt  }
0x59: {  	_ =	shalt  }
0x5a: {  	_ =	shalt  }
0x5b: {  	_ =	shalt  }
0x5c: {  	_ =	shalt  }
0x5d: {  	_ =	shalt  }
0x5e: {  	_ =	shalt  }
0x5f: {  	_ =	shalt  }
0x60: {  	_ =	shalt  }
0x61: {  	_ =	shalt  }
0x62: {  	_ =	shalt  }
0x63: {  	_ =	shalt  }
0x64: {  	_ =	shalt  }
0x65: {  	_ =	shalt  }
0x66: {  	_ =	shalt  }
0x67: {  	_ =	shalt  }
0x68: {  	_ =	shalt  }
0x69: {  	_ =	shalt  }
0x6a: {  	_ =	shalt  }
0x6b: {  	_ =	shalt  }
0x6c: {  	_ =	shalt  }
0x6d: {  	_ =	shalt  }
0x6e: {  	_ =	shalt  }
0x6f: {  	_ =	shalt  }
0x70: {  	_ =	shalt  }
0x71: {  	_ =	shalt  }
0x72: {  	_ =	shalt  }
0x73: {  	_ =	shalt  }
0x74: {  	_ =	shalt  }
0x75: {  	_ =	shalt  }
0x76: {  	_ =	shalt  }
0x77: {  	_ =	shalt  }
0x78: {  	_ =	shalt  }
0x79: {  	_ =	shalt  }
0x7a: {  	_ =	shalt  }
0x7b: {  	_ =	shalt  }
0x7c: {  	_ =	shalt  }
0x7d: {  	_ =	shalt  }
0x7e: {  	_ =	shalt  }
0x7f: {  	_ =	shalt  }
0x80: {  	_ =	shalt  }
0x81: {  	_ =	shalt  }
0x82: {  	_ =	shalt  }
0x83: {  	_ =	shalt  }
0x84: {  	_ =	shalt  }
0x85: {  	_ =	shalt  }
0x86: {  	_ =	shalt  }
0x87: {  	_ =	shalt  }
.Lfunc_end0:
.L_simem_size_0:
called_computation.2_lowered:
.L_overlay_start_0:
0x88: {  	s2 =	sld [smem:$0x3FD9]  }
0x89: {  	s3 =	sld [smem:$0x3FFE];
	_ =	sdelay $0x1  }
0x8a: {  	s1 =	srdreg.scid  }
0x8b: {  	s0 =	sand.u32 $0x1, s1  }
0x8c: {  	s17 =	sshll.u32 s0, $0xA;
	s2 =	sadd.s32 s3, s2  }
0x8d: {  	s2 =	sadd.s32 s2, s17  }
0x8e: {  	[smem:$0x3FC7] =	sst s2  }
0x8f: {  	_ = 	snop  }
0x90: {  	s18 =	sld [smem:$0x3FD0];
	(tm) =	ssettm $0x1  }
0x91: {  	s19 =	sld [smem:$0x3FFB];
	_ =	sdelay $0x3  }
0x92: {  	_ =	strace s19  }
0x93: {  	s2 =	sld [smem:$0x3FFC];
	_ =	sdelay $0x3  }
0x94: {  	_ =	strace s2  }
0x95: {  	s2 =	sld [smem:$0x3FFD];
	_ =	sdelay $0x3  }
0x96: {  	_ =	strace s2  }
0x97: {  	_ =	strace $0x8FFFFFFF  }
0x98: {  	s20 =	sld [smem:$0x3FDB];
	_ =	sdelay $0x1  }
0x99: {  	s4 =	simm.s32 $_scs_section_size  }
0x9a: {  	s5 =	simm.s32 $_size__tile_overlayer_lowered;
	s6 =	simm.s32 $_tile_overlayer_lowered  }
0x9b: {  	s7 =	simm.s32 $0x1BFF;
	s21 =	sshll.u32 s6, $0x1;
	s4 =	sadd.s32 s4, s20  }
0x9c: {  	s22 =	simm.s32 $0x0;
	s5 =	sshll.u32 s5, $0x1;
	s6 =	sadd.s32 s21, s4  }
0x9d: {  	[timem:s22], [sflag:s7] =	dma.local [hbm:s6], s5  }
0x9e: {  	_ =	swait.ge [sflag:s7], s5  }
0x9f: {  	s5 =	ssub.s32 $0x0, s5;
	[sflag:s7] =	ssyncset.done $0x0  }
0xa0: {  	[sflag:s7] =	ssyncadd.s32 s5;
	_ =	sdelay $0x1  }
0xa1: {  	s23 =	simm.s32 $0x1B8B  }
0xa2: {  	_ =	swait.ge [sflag:s23], $0x1  }
0xa3: {  	[sflag:s23] =	ssyncset.done $0x0  }
0xa4: {  	[sflag:s23] =	ssyncadd.s32 $0xFFFFFFFF  }
0xa5: {  	s5 =	sld [smem:$0x0]  }
0xa6: {  	s6 =	sand.u32 $0xFFFFFFFE, s1  }
0xa7: {  	p0 =	sne.s32 s1, s6  }
0xa8: {  	s6 =	sshll.u32 @p0 s6, $0xE  }
0xa9: {  	s6 =	sadd.s32 @p0 $0x11B8D, s6;
	s7 =	sshll.u32 @p0 s5, $0x11  }
0xaa: {  	s6 =	sor.u32 @p0 s7, s6  }
0xab: {  	[sflag:s6] =	ssyncadd.remote.s32 @p0 $0x1;
	_ =	sdelay $0x1  }
0xac: {  	s6 =	simm.s32 @p0 $0x1B8D  }
0xad: {  	_ =	swait.eq @p0 [sflag:s6], $0x1  }
0xae: {  	[sflag:s6] =	ssyncadd.s32 @p0 $0xFFFFFFFF  }
0xaf: {  	s7 =	sshll.u32 @!p0 s1, $0xE  }
0xb0: {  	s7 =	sor.u32 @!p0 $0x4000, s7;
	s6 =	simm.s32 @!p0 $0x1B8D  }
0xb1: {  	s5 =	sshll.u32 @!p0 s5, $0x11;
	s7 =	sadd.s32 @!p0 $0x11B8D, s7;
	_ =	swait.eq @!p0 [sflag:s6], $0x1  }
0xb2: {  	s5 =	sor.u32 @!p0 s5, s7;
	[sflag:s6] =	ssyncadd.s32 @!p0 $0xFFFFFFFF  }
0xb3: {  	s25 =	simm.s32 $0x1B8E;
	s24 =	sld [smem:$0x3FFE];
	[sflag:s5] =	ssyncadd.remote.s32 @!p0 $0x1  }
0xb4: {  	s26 =	simm.s32 $execute0_lowered;
	[smem:$0x3FD2] =	sst s25  }
0xb5: {  	s6 =	sshll.u32 s26, $0x1;
	_ =	strace $0x8000004C;
	[dreg:$0x1] =	wrdreg $0xFFFFFFFF  }
0xb6: {  	s28 =	simm.s32 $_size_execute0_lowered;
	s4 =	sadd.s32 s4, s6;
	[dreg:$0x0] =	wrdreg $0x0  }
0xb7: {  	s6 =	sshll.u32 s28, $0x1;
	[dreg:$0x2] =	wrdreg s4  }
0xb8: {  	[dreg:$0x3] =	wrdreg s6  }
0xb9: {  	[dreg:$0x4] =	wrdreg $0xC0  }
0xba: {  	_ =	task [dreg:s22], $0x5FFFF  }
0xbb: {  	[dreg:$0x1] =	wrdreg $0xFFFFFFFF  }
0xbc: {  	[dreg:$0x0] =	wrdreg $0x60  }
0xbd: {  	[dreg:$0x2] =	wrdreg s18  }
0xbe: {  	[dreg:$0x3] =	wrdreg s24  }
0xbf: {  	[dreg:$0x4] =	wrdreg $0xA  }
0xc0: {  	_ =	task.clear_ibuf [dreg:s22], $0x5FFFF;
	_ =	strace $0x9000004C  }
0xc1: {  	s29 =	simm.s32 $0xA;
	_ =	strace $0x8000004E  }
0xc2: {  	_ =	swait.ge [sflag:s29], $0x1  }
0xc3: {  	[sflag:s29] =	ssyncadd.s32 $0xFFFFFFFF  }
0xc4: {  	_ =	strace $0x9000004E  }
0xc5: {  	_ =	sfence  }
0xc6: {  	s30 =	sld [smem:$0x0];
	_ =	sdelay $0x2  }
0xc7: {  	s31 =	sshll.u32 s1, $0xD;
	s1 =	sshrl.u32 s1, $0x2  }
0xc8: {  	s4 =	sand.u32 $0x4000, s31;
	s1 =	sadd.s32 s1, s30  }
0xc9: {  	s0 =	sor.u32 s4, s0;
	s1 =	sshll.u32 s1, $0x11  }
0xca: {  	s0 =	sor.u32 s1, s0  }
0xcb: {  	s0 =	sadd.s32 $0x8F2B, s0  }
0xcc: {  	[sflag:s0] =	ssyncadd.remote.s32 $0x1  }
0xcd: {  	_ =	sfence.sel $0xFFFF  }
0xce: {  	[dreg:$0x0] =	wrdreg $0xFFFFFFFF;
	(pc) =	sbr.abs _section_cstart, $3  }
0xcf: {  	[dreg:$0x1] =	wrdreg $0xFFFFFFFF  }
0xd0: {  	_ =	task.clear_ibuf [dreg:s22], $0x2FFFF;
	_ =	strace $0x9FFFFFFF  }
0xd1: {  	(tm) =	ssettm $0x7FFFFFFF  }
tec
execute0_lowered:
.L_overlay_start_1:
0x0: {  	(tag) =	ssettag $0x1  }
0x1: {  	s2 =	rddreg [dreg:$0x0]  }
0x2: {  	s8 =	rddreg [dreg:$0x1]  }
0x3: {  	s0 =	rddreg [dreg:$0x2];
	s1 =	stileid.u32  }
0x4: {  	s3 =	srdreg.scid;
	_ =	strace $0x8000004D;
	s4 =	simm.s32 $0x1  }
0x5: {  	s7 =	simm.s32 $0x1;
	s9 =	simm.s32 $0x1;
	s10 =	simm.s32 $0x3  }
0x6: {  	s13 =	simm.s32 $0x0;
	s5 =	sand.u32 $0x1, s3;
	s6 =	sshll.u32 s1, $0x1  }
0x7: {  	s12 =	simm.s32 $0x0;
	s3 =	sadd.s32 $0x800, s8;
	s5 =	sor.u32 s6, s5  }
.Ltmp0:
0x8: {  	[sflag:s4] =	ssyncpa.u1 $0x0;
	p0 =	slt.u32 s5, $0x13;
	(pc) =	sbr.rel .LBB2_1-.Ltmp0, $4  }
0x9: {  	s6 =	simm.s32 $0x2;
	s7 =	simm.s32 @!p0 $0x0;
	p0 =	sne.s32 s5, $0x12  }
0xa: {  	[sflag:s6] =	ssyncpa.u1 $0x0;
	s5 =	smul.u32 $0x820, s5;
	s9 =	simm.s32 @!p0 $0x0  }
0xb: {  	s8 =	sadd.s32 $0xA400, s8;
	[sflag:s10] =	ssyncpa.u1 $0x0;
	s7 =	sadd.s32 s9, s7  }
0xc: {  	vm0 =	vmmov $0xffff;
	s10 =	simm.s32 $0x0;
	s11 =	smov.u32 s5;
	s9 =	sadd.s32 $0x1, s7  }
.LBB2_4:
0xd: {  	v2 =	vnsel vm1, $0x0, v2  }
0xe: {  	vm1 =	vgt.s32 v0, $0x0;
	v2 =	vmin.u32 v2, $0x19FFF  }
0xf: {  	v0 =	vnsel vm1, $0x0, v0  }
0x10: {  	v0 =	vmin.u32 v0, $0x19FFF  }
0x11: {  	[tilespmem:s18], [sflag:$0x1] =	stream.indirect_vreg.gather [hbm4b:s2+s10], $0x1, v1, vm0, $0x4038;
	[tilespmem:$0x2080] =	vst v63  }
0x12: {  	(ifvalue) =	ssetifvalue $0x7FFFFFFF  }
0x13: {  	[tilespmem:s15], [sflag:$0x1] =	stream.indirect_vreg.gather [hbm4b:s2+s10], $0x1, v2, vm0, $0x4038;
	[tilespmem:$0x2080] =	vst v63  }
0x14: {  	s29 =	sadd.s32 $0x10, s15;
	(ifvalue) =	ssetifvalue $0x7FFFFFFF  }
0x15: {  	[tilespmem:s29], [sflag:$0x1] =	stream.indirect_vreg.gather [hbm4b:s2+s10], $0x1, v0, vm0, $0x4038;
	[tilespmem:$0x2080] =	vst v63  }
0x16: {  	_ =	swait.ge [sflag:s4], $0x820  }
0x17: {  	s30 =	sshrl.u32 s13, $0x3;
	[sflag:s4] =	ssyncset.done $0x0  }
0x18: {  	s31 =	sand.u32 $0x7, s13;
	s15 =	sadd.s32 s8, s30;
	[sflag:s4] =	ssyncadd.s32 $0xFFFFF7E0  }
0x19: {  	[hbm4b:s15+s31] =	stream.linear.scatter [tilespmem:s14], [sflag:$0x3], $0x820, $0x38;
	[tilespmem:$0x2080] =	vst v63  }
.LBB2_5:
0x1a: {  	s15 =	sadd.s32 $0x10400, s11  }
0x1b: {  	p1 =	sgt.s32 s15, $0x1963F  }
0x1c: {  	s15 =	smov.u32 @p1 s5;
	p1 =	sne.s32 s12, s9  }
.Ltmp1:
0x1d: {  	p0 =	slt.u32 s12, $0x2;
	(pc) =	sbr.rel @!p1 .LBB2_6-.Ltmp1, $4  }
0x1e: {  	s14 =	simm.s32 @!p0 $0x3  }
0x1f: {  	_ =	swait.ge @!p0 [sflag:s14], $0x820  }
0x20: {  	s16 =	sadd.s32 $0x1, s12;
	s13 =	smov.u32 s11;
	[sflag:s14] =	ssyncset.done @!p0 $0x0  }
0x21: {  	s12 =	smov.u32 s16;
	s11 =	smov.u32 s15;
	[sflag:s14] =	ssyncadd.s32 @!p0 $0xFFFFF7E0  }
.LBB2_1:
0x22: {  	p0 =	sge.u32 s12, s7  }
0x23: {  	s14 =	sxor.u32 @!p0 $0x1, s12  }
0x24: {  	s14 =	smul.u32 @!p0 $0x2080, s14  }
0x25: {  	s31 =	sadd.s32 $0xFFFFFFFF, s12;
	s15 =	sshrl.u32 @!p0 s11, $0x3  }
0x26: {  	s16 =	sand.u32 @!p0 $0x7, s11;
	s15 =	sadd.s32 @!p0 s3, s15;
	s14 =	sshra.s32 @!p0 s14, $0x2  }
0x27: {  	[tilespmem:s14], [sflag:$0x2] =	stream.linear.gather @!p0 [hbm4b:s15+s16], $0x820, $0x38;
	[tilespmem:$0x2080] =	vst v63  }
0x28: {  	p0 =	sge.u32 s31, s7  }
.Ltmp2:
0x29: {  	_ = 	snop;
	(pc) =	sbr.rel @p0 .LBB2_5-.Ltmp2, $1  }
0x2a: {  	_ =	sdelay $0x3  }
0x2b: {  	s14 =	sand.u32 $0x1, s12  }
0x2c: {  	_ =	swait.ge [sflag:s6], $0x820;
	p0 =	seq.s32 s14, $0x1;
	s14 =	simm.s32 $0x820  }
0x2d: {  	[sflag:s6] =	ssyncset.done $0x0;
	s14 =	simm.s32 @!p0 $0x0  }
0x2e: {  	[sflag:s6] =	ssyncadd.s32 $0xFFFFF7E0;
	(ifvalue) =	ssetifvalue $0x7FFFFFFF;
	v0 =	vld.msk [tilespmem:s14+$0x0 ss:$0x1], $0xffff;
	_ =	sdelay $0x4  }
0x2f: {  	s15 =	sadd.s32 $0x10, s14;
	vm1 =	vgt.s32 v0, $0x0  }
0x30: {  	v2 =	vld.msk [tilespmem:s15+$0x0 ss:$0x1], $0xffff;
	v1 =	vnsel vm1, $0x0, v0  }
0x31: {  	v1 =	vmin.u32 v1, $0x19FFF;
	_ =	sdelay $0x2  }
0x32: {  	s17 =	simm.s32 $0x20;
	s14 =	sor.u32 $0x1040, s14;
	s16 =	sadd.s32 $0x10, s15  }
0x33: {  	s15 =	sadd.s32 $0x10, s14;
	s18 =	smov.u32 s14;
	v0 =	vld.msk [tilespmem:s16+$0x0 ss:$0x1], $0xffff;
	vm1 =	vgt.s32 v2, $0x0;
	(ifvalue) =	ssetifvalue $0x7FFFFFFF  }
.LBB2_3:
0x34: {  	[tilespmem:s18], [sflag:$0x1] =	stream.indirect_vreg.gather [hbm4b:s2+s10], $0x1, v1, vm0, $0x4038;
	[tilespmem:$0x2080] =	vst v63  }
0x35: {  	s17 =	sadd.s32 $0x10, s17  }
0x36: {  	v2 =	vnsel vm1, $0x0, v2;
	p0 =	slt.u32 s17, $0x810  }
.Ltmp3:
0x37: {  	s18 =	smov.u32 s15;
	v1 =	vmin.u32 v2, $0x19FFF;
	(pc) =	sbr.rel @p0 .LBB2_3-.Ltmp3, $3  }
0x38: {  	_ =	sdelay $0x1  }
0x39: {  	s16 =	sadd.s32 $0x10, s16  }
0x3a: {  	vm1 =	vgt.s32 v0, $0x0;
	s15 =	sadd.s32 $0x10, s15;
	v2 =	vmov v0;
	(ifvalue) =	ssetifvalue $0x7FFFFFFF;
	v0 =	vld.msk [tilespmem:s16+$0x0 ss:$0x1], $0xffff  }
.Ltmp4:
0x3b: {  	_ = 	snop;
	(pc) =	sbr.rel .LBB2_4-.Ltmp4, $1  }
0x3c: {  	_ =	sdelay $0x3  }
.LBB2_6:
0x3d: {  	_ =	sfence.sel $0x180000  }
0x3e: {  	s2 =	simm.s32 $0x2;
	[bflag:$0x0] =	sbarrier.arrive $0xFFFF  }
0x3f: {  	s30 =	simm.s32 $0x3;
	[sflag:s2] =	ssyncpa.u1 $0x1  }
0x40: {  	s31 =	simm.s32 $0x1;
	[sflag:s30] =	ssyncpa.u1 $0x1  }
0x41: {  	[sflag:s31] =	ssyncpa.u1 $0x1  }
0x42: {  	p0 =	sne.s32 s1, $0x0;
	_ =	strace $0x9000004D  }
0x43: {  	s0 =	sadd.s32 @!p0 $0x100000, s0;
	[bflag:$0x2] =	sbarrier.arrive $0xFFFF  }
0x44: {  	[sflag:s0] =	ssyncadd.tile.s32 @!p0 $0x1;
	_ =	shalt  }
.Lfunc_end2:
_tile_overlayer_lowered:
.L_overlay_start_2:
0x45: {  	(tag) =	ssettag $0x2  }
0x46: {  	s0 =	rddreg [dreg:$0x0];
	s2 =	stileid.u32  }
0x47: {  	s1 =	rddreg [dreg:$0x1];
	p0 =	sne.s32 s2, $0x0  }
0x48: {  	s3 =	rddreg [dreg:$0x2];
	[bflag:$0x3] =	sbarrier.arrive $0xFFFF;
	s2 =	simm.s32 @!p0 $0x1C01  }
0x49: {  	[timem:s3], [sflag:s2] =	dma.local @!p0 [hbm:s0], s1  }
0x4a: {  	s0 =	simm.s32 @!p0 $0x1  }
0x4b: {  	_ =	swait.ge @!p0 [sflag:s0], s1  }
0x4c: {  	s1 =	ssub.s32 @!p0 $0x0, s1;
	[sflag:s0] =	ssyncset.done @!p0 $0x0  }
0x4d: {  	[sflag:s0] =	ssyncadd.s32 @!p0 s1  }
0x4e: {  	[bflag:$0x3] =	sbarrier.arrive $0xFFFF  }
0x4f: {  	_ =	shalt  }

// kernel: gather_offload_async_start.2
scs
__scs_entry_jumppad:
0x0: {  	(pc) =	sbr.rel $0x88, $3  }
0x1: {  	(tag) =	ssettag $0x0;
	lr =	simm.s32 $0x1  }
0x2: {  	[smem:$0x3FA0] =	sst lr;
	_ =	strace $0xD0000000  }
0x3: {  	_ = 	snop  }
0x4: {  	_ = 	snop  }
0x5: {  	_ = 	snop  }
0x6: {  	_ = 	snop  }
0x7: {  	_ = 	snop  }
__scs_overlays_trampoline_lowered:
0x8: {  	[smem:$0x3FAF] =	sst s0  }
0x9: {  	[smem:$0x3FB0] =	sst s1  }
0xa: {  	[smem:$0x3FB1] =	sst s2  }
0xb: {  	[smem:$0x3FB2] =	sst s3  }
0xc: {  	[smem:$0x3FB3] =	sst s4  }
0xd: {  	[smem:$0x3FB4] =	sst s5  }
0xe: {  	[smem:$0x3FB5] =	sst s6  }
0xf: {  	[smem:$0x3FB6] =	sst s7  }
0x10: {  	[smem:$0x3FB7] =	sst s8  }
0x11: {  	[smem:$0x3FB8] =	sst s9;
	s0 =	simm.s32 @!p0 $0x0  }
0x12: {  	s1 =	sld [smem:$0x3F9E];
	s0 =	simm.s32 @p0 $0x1  }
0x13: {  	[smem:$0x3FB9] =	sst s0;
	s0 =	simm.s32 @!p1 $0x0  }
0x14: {  	s2 =	sld [smem:$0x3F9D];
	s0 =	simm.s32 @p1 $0x1  }
0x15: {  	[smem:$0x3FBA] =	sst s0;
	s0 =	simm.s32 @!p2 $0x0  }
0x16: {  	s3 =	sld [smem:$0x3FDB];
	s0 =	simm.s32 @p2 $0x1  }
0x17: {  	s4 =	simm.s32 $0x1BF5;
	[smem:$0x3FBC] =	sst s0  }
0x18: {  	s0 =	sld [smem:$0x3F9F];
	_ =	swait.ge [sflag:s4], $0x0  }
0x19: {  	s7 =	sld [smem:$0x3FA0]  }
0x1a: {  	s8 =	sadd.s32 $0xFFFFE003, lr  }
0x1b: {  	s9 =	sadd.s32 $0xFFFFFEF7, lr;
	s5 =	simm.s32 $0xFFFFFFFF;
	p2 =	slt.u32 s8, $0xFFFFF086  }
0x1c: {  	p1 =	slt.u32 s9, $0xF7A;
	s5 =	simm.s32 @!p2 $0x0  }
0x1d: {  	s5 =	simm.s32 @p1 $0x1;
	p0 =	seq.s32 s7, s2  }
0x1e: {  	s7 =	smul.u32 @!p0 $0xF7A, s2;
	p2 =	seq.s32 @!p0 s5, $0x0  }
0x1f: {  	s9 =	smul.u32 $0xF7A, s1;
	s8 =	simm.s32 @!p0 $0x1BF5;
	p2 =	por !p2, p0  }
0x20: {  	[sflag:s8] =	ssyncset.s32 @!p0 $0xFFFFF086;
	s6 =	sadd.s32 @!p0 s3, s7;
	s7 =	simm.s32 @!p0 $0x108  }
0x21: {  	s3 =	sadd.s32 s3, s9;
	s6 =	sadd.s32 @!p0 $0x88, s6;
	s7 =	simm.s32 @p2 $0x1082  }
0x22: {  	[simem:s7], [sflag:s8] =	dma.local @!p0 [hbm:s6], $0xF7A  }
0x23: {  	s9 =	sor.u32 $0xD0000000, s2;
	s6 =	simm.s32 $0x108;
	_ =	swait.ge @!p0 [sflag:s8], $0x0  }
0x24: {  	s3 =	sadd.s32 $0x88, s3;
	s6 =	simm.s32 @!p1 $0x1082;
	[sflag:s4] =	ssyncset.s32 $0xFFFFF086  }
0x25: {  	[simem:s6], [sflag:s4] =	dma.local [hbm:s3], $0xF7A  }
0x26: {  	[smem:$0x3FA0] =	sst s1;
	(tag) =	ssettag s2;
	_ =	strace s9  }
0x27: {  	s1 =	sld [smem:$0x3FB0]  }
0x28: {  	s2 =	sld [smem:$0x3FB1]  }
0x29: {  	s4 =	sld [smem:$0x3FB3]  }
0x2a: {  	p0 =	seq.s32 s5, $0x0;
	s5 =	sld [smem:$0x3FB4]  }
0x2b: {  	s6 =	sld [smem:$0x3FB5]  }
0x2c: {  	s7 =	sld [smem:$0x3FB6]  }
0x2d: {  	s3 =	simm.s32 $0x108;
	s8 =	sld [smem:$0x3FB7]  }
0x2e: {  	s3 =	simm.s32 @!p0 $0x1082;
	s9 =	sld [smem:$0x3FB8]  }
0x2f: {  	lr =	sadd.s32 s0, s3;
	s0 =	sld [smem:$0x3FAF]  }
0x30: {  	s3 =	sld [smem:$0x3FB2]  }
0x31: {  	[smem:$0x3FBB] =	sst s10  }
0x32: {  	s10 =	sld [smem:$0x3FB9];
	_ =	sdelay $0x3  }
0x33: {  	p0 =	seq.s32 s10, $0x1;
	s10 =	sld [smem:$0x3FBB];
	_ =	sdelay $0x3  }
0x34: {  	[smem:$0x3FBB] =	sst s10  }
0x35: {  	s10 =	sld [smem:$0x3FBA];
	_ =	sdelay $0x3  }
0x36: {  	p1 =	seq.s32 s10, $0x1;
	s10 =	sld [smem:$0x3FBB];
	_ =	sdelay $0x3  }
0x37: {  	[smem:$0x3FBB] =	sst s10  }
0x38: {  	s10 =	sld [smem:$0x3FBC]  }
0x39: {  	_ = 	snop;
	(pc) =	sbr.ind lr, $3  }
0x3a: {  	_ = 	snop  }
0x3b: {  	_ = 	snop  }
0x3c: {  	p2 =	seq.s32 s10, $0x1;
	s10 =	sld [smem:$0x3FBB]  }
0x3d: {  	_ =	shalt  }
0x3e: {  	_ =	shalt  }
0x3f: {  	_ =	shalt  }
0x40: {  	_ =	shalt  }
0x41: {  	_ =	shalt  }
0x42: {  	_ =	shalt  }
0x43: {  	_ =	shalt  }
0x44: {  	_ =	shalt  }
0x45: {  	_ =	shalt  }
0x46: {  	_ =	shalt  }
0x47: {  	_ =	shalt  }
0x48: {  	_ =	shalt  }
0x49: {  	_ =	shalt  }
0x4a: {  	_ =	shalt  }
0x4b: {  	_ =	shalt  }
0x4c: {  	_ =	shalt  }
0x4d: {  	_ =	shalt  }
0x4e: {  	_ =	shalt  }
0x4f: {  	_ =	shalt  }
0x50: {  	_ =	shalt  }
0x51: {  	_ =	shalt  }
0x52: {  	_ =	shalt  }
0x53: {  	_ =	shalt  }
0x54: {  	_ =	shalt  }
0x55: {  	_ =	shalt  }
0x56: {  	_ =	shalt  }
0x57: {  	_ =	shalt  }
0x58: {  	_ =	shalt  }
0x59: {  	_ =	shalt  }
0x5a: {  	_ =	shalt  }
0x5b: {  	_ =	shalt  }
0x5c: {  	_ =	shalt  }
0x5d: {  	_ =	shalt  }
0x5e: {  	_ =	shalt  }
0x5f: {  	_ =	shalt  }
0x60: {  	_ =	shalt  }
0x61: {  	_ =	shalt  }
0x62: {  	_ =	shalt  }
0x63: {  	_ =	shalt  }
0x64: {  	_ =	shalt  }
0x65: {  	_ =	shalt  }
0x66: {  	_ =	shalt  }
0x67: {  	_ =	shalt  }
0x68: {  	_ =	shalt  }
0x69: {  	_ =	shalt  }
0x6a: {  	_ =	shalt  }
0x6b: {  	_ =	shalt  }
0x6c: {  	_ =	shalt  }
0x6d: {  	_ =	shalt  }
0x6e: {  	_ =	shalt  }
0x6f: {  	_ =	shalt  }
0x70: {  	_ =	shalt  }
0x71: {  	_ =	shalt  }
0x72: {  	_ =	shalt  }
0x73: {  	_ =	shalt  }
0x74: {  	_ =	shalt  }
0x75: {  	_ =	shalt  }
0x76: {  	_ =	shalt  }
0x77: {  	_ =	shalt  }
0x78: {  	_ =	shalt  }
0x79: {  	_ =	shalt  }
0x7a: {  	_ =	shalt  }
0x7b: {  	_ =	shalt  }
0x7c: {  	_ =	shalt  }
0x7d: {  	_ =	shalt  }
0x7e: {  	_ =	shalt  }
0x7f: {  	_ =	shalt  }
0x80: {  	_ =	shalt  }
0x81: {  	_ =	shalt  }
0x82: {  	_ =	shalt  }
0x83: {  	_ =	shalt  }
0x84: {  	_ =	shalt  }
0x85: {  	_ =	shalt  }
0x86: {  	_ =	shalt  }
0x87: {  	_ =	shalt  }
.Lfunc_end0:
.L_simem_size_0:
called_computation.3_lowered:
.L_overlay_start_0:
0x88: {  	s2 =	sld [smem:$0x3FD9]  }
0x89: {  	s3 =	sld [smem:$0x3FFE];
	_ =	sdelay $0x1  }
0x8a: {  	s1 =	srdreg.scid  }
0x8b: {  	s0 =	sand.u32 $0x1, s1  }
0x8c: {  	s17 =	sshll.u32 s0, $0xA;
	s2 =	sadd.s32 s3, s2  }
0x8d: {  	s2 =	sadd.s32 s2, s17  }
0x8e: {  	[smem:$0x3FC7] =	sst s2  }
0x8f: {  	_ = 	snop  }
0x90: {  	s18 =	sld [smem:$0x3FD0];
	(tm) =	ssettm $0x1  }
0x91: {  	s19 =	sld [smem:$0x3FFB];
	_ =	sdelay $0x3  }
0x92: {  	_ =	strace s19  }
0x93: {  	s2 =	sld [smem:$0x3FFC];
	_ =	sdelay $0x3  }
0x94: {  	_ =	strace s2  }
0x95: {  	s2 =	sld [smem:$0x3FFD];
	_ =	sdelay $0x3  }
0x96: {  	_ =	strace s2  }
0x97: {  	_ =	strace $0x8FFFFFFF  }
0x98: {  	s20 =	sld [smem:$0x3FDB];
	_ =	sdelay $0x1  }
0x99: {  	s4 =	simm.s32 $_scs_section_size  }
0x9a: {  	s5 =	simm.s32 $_size__tile_overlayer_lowered;
	s6 =	simm.s32 $_tile_overlayer_lowered  }
0x9b: {  	s7 =	simm.s32 $0x1BFF;
	s21 =	sshll.u32 s6, $0x1;
	s4 =	sadd.s32 s4, s20  }
0x9c: {  	s22 =	simm.s32 $0x0;
	s5 =	sshll.u32 s5, $0x1;
	s6 =	sadd.s32 s21, s4  }
0x9d: {  	[timem:s22], [sflag:s7] =	dma.local [hbm:s6], s5  }
0x9e: {  	_ =	swait.ge [sflag:s7], s5  }
0x9f: {  	s5 =	ssub.s32 $0x0, s5;
	[sflag:s7] =	ssyncset.done $0x0  }
0xa0: {  	[sflag:s7] =	ssyncadd.s32 s5;
	_ =	sdelay $0x1  }
0xa1: {  	s23 =	simm.s32 $0x1B8B  }
0xa2: {  	_ =	swait.ge [sflag:s23], $0x1  }
0xa3: {  	[sflag:s23] =	ssyncset.done $0x0  }
0xa4: {  	[sflag:s23] =	ssyncadd.s32 $0xFFFFFFFF  }
0xa5: {  	s5 =	sld [smem:$0x0]  }
0xa6: {  	s6 =	sand.u32 $0xFFFFFFFE, s1  }
0xa7: {  	p0 =	sne.s32 s1, s6  }
0xa8: {  	s6 =	sshll.u32 @p0 s6, $0xE  }
0xa9: {  	s6 =	sadd.s32 @p0 $0x11B8D, s6;
	s7 =	sshll.u32 @p0 s5, $0x11  }
0xaa: {  	s6 =	sor.u32 @p0 s7, s6  }
0xab: {  	[sflag:s6] =	ssyncadd.remote.s32 @p0 $0x1;
	_ =	sdelay $0x1  }
0xac: {  	s6 =	simm.s32 @p0 $0x1B8D  }
0xad: {  	_ =	swait.eq @p0 [sflag:s6], $0x1  }
0xae: {  	[sflag:s6] =	ssyncadd.s32 @p0 $0xFFFFFFFF  }
0xaf: {  	s7 =	sshll.u32 @!p0 s1, $0xE  }
0xb0: {  	s7 =	sor.u32 @!p0 $0x4000, s7;
	s6 =	simm.s32 @!p0 $0x1B8D  }
0xb1: {  	s5 =	sshll.u32 @!p0 s5, $0x11;
	s7 =	sadd.s32 @!p0 $0x11B8D, s7;
	_ =	swait.eq @!p0 [sflag:s6], $0x1  }
0xb2: {  	s5 =	sor.u32 @!p0 s5, s7;
	[sflag:s6] =	ssyncadd.s32 @!p0 $0xFFFFFFFF  }
0xb3: {  	s25 =	simm.s32 $0x1B8E;
	s24 =	sld [smem:$0x3FFE];
	[sflag:s5] =	ssyncadd.remote.s32 @!p0 $0x1  }
0xb4: {  	s26 =	simm.s32 $execute0_lowered;
	[smem:$0x3FD2] =	sst s25  }
0xb5: {  	s6 =	sshll.u32 s26, $0x1;
	_ =	strace $0x80000049;
	[dreg:$0x1] =	wrdreg $0xFFFFFFFF  }
0xb6: {  	s28 =	simm.s32 $_size_execute0_lowered;
	s4 =	sadd.s32 s4, s6;
	[dreg:$0x0] =	wrdreg $0x0  }
0xb7: {  	s6 =	sshll.u32 s28, $0x1;
	[dreg:$0x2] =	wrdreg s4  }
0xb8: {  	[dreg:$0x3] =	wrdreg s6  }
0xb9: {  	[dreg:$0x4] =	wrdreg $0xC0  }
0xba: {  	_ =	task [dreg:s22], $0x5FFFF  }
0xbb: {  	[dreg:$0x1] =	wrdreg $0xFFFFFFFF  }
0xbc: {  	[dreg:$0x0] =	wrdreg $0x60  }
0xbd: {  	[dreg:$0x2] =	wrdreg s18  }
0xbe: {  	[dreg:$0x3] =	wrdreg s24  }
0xbf: {  	[dreg:$0x4] =	wrdreg $0x9  }
0xc0: {  	_ =	task.clear_ibuf [dreg:s22], $0x5FFFF;
	_ =	strace $0x90000049  }
0xc1: {  	s29 =	simm.s32 $0x9;
	_ =	strace $0x8000004B  }
0xc2: {  	_ =	swait.ge [sflag:s29], $0x1  }
0xc3: {  	[sflag:s29] =	ssyncadd.s32 $0xFFFFFFFF  }
0xc4: {  	_ =	strace $0x9000004B  }
0xc5: {  	_ =	sfence  }
0xc6: {  	s30 =	sld [smem:$0x0];
	_ =	sdelay $0x2  }
0xc7: {  	s31 =	sshll.u32 s1, $0xD;
	s1 =	sshrl.u32 s1, $0x2  }
0xc8: {  	s4 =	sand.u32 $0x4000, s31;
	s1 =	sadd.s32 s1, s30  }
0xc9: {  	s0 =	sor.u32 s4, s0;
	s1 =	sshll.u32 s1, $0x11  }
0xca: {  	s0 =	sor.u32 s1, s0  }
0xcb: {  	s0 =	sadd.s32 $0x8F2B, s0  }
0xcc: {  	[sflag:s0] =	ssyncadd.remote.s32 $0x1  }
0xcd: {  	_ =	sfence.sel $0xFFFF  }
0xce: {  	[dreg:$0x0] =	wrdreg $0xFFFFFFFF;
	(pc) =	sbr.abs _section_cstart, $3  }
0xcf: {  	[dreg:$0x1] =	wrdreg $0xFFFFFFFF  }
0xd0: {  	_ =	task.clear_ibuf [dreg:s22], $0x2FFFF;
	_ =	strace $0x9FFFFFFF  }
0xd1: {  	(tm) =	ssettm $0x7FFFFFFF  }
tec
execute0_lowered:
.L_overlay_start_1:
0x0: {  	(tag) =	ssettag $0x1  }
0x1: {  	s2 =	rddreg [dreg:$0x0]  }
0x2: {  	s8 =	rddreg [dreg:$0x1]  }
0x3: {  	s0 =	rddreg [dreg:$0x2];
	s1 =	stileid.u32  }
0x4: {  	s3 =	srdreg.scid;
	_ =	strace $0x8000004A;
	s4 =	simm.s32 $0x1  }
0x5: {  	s7 =	simm.s32 $0x1;
	s9 =	simm.s32 $0x1;
	s10 =	simm.s32 $0x3  }
0x6: {  	s13 =	simm.s32 $0x0;
	s5 =	sand.u32 $0x1, s3;
	s6 =	sshll.u32 s1, $0x1  }
0x7: {  	s12 =	simm.s32 $0x0;
	s3 =	sadd.s32 $0x3C00, s8;
	s5 =	sor.u32 s6, s5  }
.Ltmp0:
0x8: {  	[sflag:s4] =	ssyncpa.u1 $0x0;
	p0 =	slt.u32 s5, $0x13;
	(pc) =	sbr.rel .LBB2_1-.Ltmp0, $4  }
0x9: {  	s6 =	simm.s32 $0x2;
	s7 =	simm.s32 @!p0 $0x0;
	p0 =	sne.s32 s5, $0x12  }
0xa: {  	[sflag:s6] =	ssyncpa.u1 $0x0;
	s5 =	smul.u32 $0x820, s5;
	s9 =	simm.s32 @!p0 $0x0  }
0xb: {  	s8 =	sadd.s32 $0xD800, s8;
	[sflag:s10] =	ssyncpa.u1 $0x0;
	s7 =	sadd.s32 s9, s7  }
0xc: {  	vm0 =	vmmov $0xffff;
	s10 =	simm.s32 $0x0;
	s11 =	smov.u32 s5;
	s9 =	sadd.s32 $0x1, s7  }
.LBB2_4:
0xd: {  	v2 =	vnsel vm1, $0x0, v2  }
0xe: {  	vm1 =	vgt.s32 v0, $0x0;
	v2 =	vmin.u32 v2, $0x19FFF  }
0xf: {  	v0 =	vnsel vm1, $0x0, v0  }
0x10: {  	v0 =	vmin.u32 v0, $0x19FFF  }
0x11: {  	[tilespmem:s18], [sflag:$0x1] =	stream.indirect_vreg.gather [hbm4b:s2+s10], $0x1, v1, vm0, $0x4038;
	[tilespmem:$0x2080] =	vst v63  }
0x12: {  	(ifvalue) =	ssetifvalue $0x7FFFFFFF  }
0x13: {  	[tilespmem:s15], [sflag:$0x1] =	stream.indirect_vreg.gather [hbm4b:s2+s10], $0x1, v2, vm0, $0x4038;
	[tilespmem:$0x2080] =	vst v63  }
0x14: {  	s29 =	sadd.s32 $0x10, s15;
	(ifvalue) =	ssetifvalue $0x7FFFFFFF  }
0x15: {  	[tilespmem:s29], [sflag:$0x1] =	stream.indirect_vreg.gather [hbm4b:s2+s10], $0x1, v0, vm0, $0x4038;
	[tilespmem:$0x2080] =	vst v63  }
0x16: {  	_ =	swait.ge [sflag:s4], $0x820  }
0x17: {  	s30 =	sshrl.u32 s13, $0x3;
	[sflag:s4] =	ssyncset.done $0x0  }
0x18: {  	s31 =	sand.u32 $0x7, s13;
	s15 =	sadd.s32 s8, s30;
	[sflag:s4] =	ssyncadd.s32 $0xFFFFF7E0  }
0x19: {  	[hbm4b:s15+s31] =	stream.linear.scatter [tilespmem:s14], [sflag:$0x3], $0x820, $0x38;
	[tilespmem:$0x2080] =	vst v63  }
.LBB2_5:
0x1a: {  	s15 =	sadd.s32 $0x10400, s11  }
0x1b: {  	p1 =	sgt.s32 s15, $0x1963F  }
0x1c: {  	s15 =	smov.u32 @p1 s5;
	p1 =	sne.s32 s12, s9  }
.Ltmp1:
0x1d: {  	p0 =	slt.u32 s12, $0x2;
	(pc) =	sbr.rel @!p1 .LBB2_6-.Ltmp1, $4  }
0x1e: {  	s14 =	simm.s32 @!p0 $0x3  }
0x1f: {  	_ =	swait.ge @!p0 [sflag:s14], $0x820  }
0x20: {  	s16 =	sadd.s32 $0x1, s12;
	s13 =	smov.u32 s11;
	[sflag:s14] =	ssyncset.done @!p0 $0x0  }
0x21: {  	s12 =	smov.u32 s16;
	s11 =	smov.u32 s15;
	[sflag:s14] =	ssyncadd.s32 @!p0 $0xFFFFF7E0  }
.LBB2_1:
0x22: {  	p0 =	sge.u32 s12, s7  }
0x23: {  	s14 =	sxor.u32 @!p0 $0x1, s12  }
0x24: {  	s14 =	smul.u32 @!p0 $0x2080, s14  }
0x25: {  	s31 =	sadd.s32 $0xFFFFFFFF, s12;
	s15 =	sshrl.u32 @!p0 s11, $0x3  }
0x26: {  	s16 =	sand.u32 @!p0 $0x7, s11;
	s15 =	sadd.s32 @!p0 s3, s15;
	s14 =	sshra.s32 @!p0 s14, $0x2  }
0x27: {  	[tilespmem:s14], [sflag:$0x2] =	stream.linear.gather @!p0 [hbm4b:s15+s16], $0x820, $0x38;
	[tilespmem:$0x2080] =	vst v63  }
0x28: {  	p0 =	sge.u32 s31, s7  }
.Ltmp2:
0x29: {  	_ = 	snop;
	(pc) =	sbr.rel @p0 .LBB2_5-.Ltmp2, $1  }
0x2a: {  	_ =	sdelay $0x3  }
0x2b: {  	s14 =	sand.u32 $0x1, s12  }
0x2c: {  	_ =	swait.ge [sflag:s6], $0x820;
	p0 =	seq.s32 s14, $0x1;
	s14 =	simm.s32 $0x820  }
0x2d: {  	[sflag:s6] =	ssyncset.done $0x0;
	s14 =	simm.s32 @!p0 $0x0  }
0x2e: {  	[sflag:s6] =	ssyncadd.s32 $0xFFFFF7E0;
	(ifvalue) =	ssetifvalue $0x7FFFFFFF;
	v0 =	vld.msk [tilespmem:s14+$0x0 ss:$0x1], $0xffff;
	_ =	sdelay $0x4  }
0x2f: {  	s15 =	sadd.s32 $0x10, s14;
	vm1 =	vgt.s32 v0, $0x0  }
0x30: {  	v2 =	vld.msk [tilespmem:s15+$0x0 ss:$0x1], $0xffff;
	v1 =	vnsel vm1, $0x0, v0  }
0x31: {  	v1 =	vmin.u32 v1, $0x19FFF;
	_ =	sdelay $0x2  }
0x32: {  	s17 =	simm.s32 $0x20;
	s14 =	sor.u32 $0x1040, s14;
	s16 =	sadd.s32 $0x10, s15  }
0x33: {  	s15 =	sadd.s32 $0x10, s14;
	s18 =	smov.u32 s14;
	v0 =	vld.msk [tilespmem:s16+$0x0 ss:$0x1], $0xffff;
	vm1 =	vgt.s32 v2, $0x0;
	(ifvalue) =	ssetifvalue $0x7FFFFFFF  }
.LBB2_3:
0x34: {  	[tilespmem:s18], [sflag:$0x1] =	stream.indirect_vreg.gather [hbm4b:s2+s10], $0x1, v1, vm0, $0x4038;
	[tilespmem:$0x2080] =	vst v63  }
0x35: {  	s17 =	sadd.s32 $0x10, s17  }
0x36: {  	v2 =	vnsel vm1, $0x0, v2;
	p0 =	slt.u32 s17, $0x810  }
.Ltmp3:
0x37: {  	s18 =	smov.u32 s15;
	v1 =	vmin.u32 v2, $0x19FFF;
	(pc) =	sbr.rel @p0 .LBB2_3-.Ltmp3, $3  }
0x38: {  	_ =	sdelay $0x1  }
0x39: {  	s16 =	sadd.s32 $0x10, s16  }
0x3a: {  	vm1 =	vgt.s32 v0, $0x0;
	s15 =	sadd.s32 $0x10, s15;
	v2 =	vmov v0;
	(ifvalue) =	ssetifvalue $0x7FFFFFFF;
	v0 =	vld.msk [tilespmem:s16+$0x0 ss:$0x1], $0xffff  }
.Ltmp4:
0x3b: {  	_ = 	snop;
	(pc) =	sbr.rel .LBB2_4-.Ltmp4, $1  }
0x3c: {  	_ =	sdelay $0x3  }
.LBB2_6:
0x3d: {  	_ =	sfence.sel $0x180000  }
0x3e: {  	s2 =	simm.s32 $0x2;
	[bflag:$0x0] =	sbarrier.arrive $0xFFFF  }
0x3f: {  	s30 =	simm.s32 $0x3;
	[sflag:s2] =	ssyncpa.u1 $0x1  }
0x40: {  	s31 =	simm.s32 $0x1;
	[sflag:s30] =	ssyncpa.u1 $0x1  }
0x41: {  	[sflag:s31] =	ssyncpa.u1 $0x1  }
0x42: {  	p0 =	sne.s32 s1, $0x0;
	_ =	strace $0x9000004A  }
0x43: {  	s0 =	sadd.s32 @!p0 $0x100000, s0;
	[bflag:$0x2] =	sbarrier.arrive $0xFFFF  }
0x44: {  	[sflag:s0] =	ssyncadd.tile.s32 @!p0 $0x1;
	_ =	shalt  }
.Lfunc_end2:
_tile_overlayer_lowered:
.L_overlay_start_2:
0x45: {  	(tag) =	ssettag $0x2  }
0x46: {  	s0 =	rddreg [dreg:$0x0];
	s2 =	stileid.u32  }
0x47: {  	s1 =	rddreg [dreg:$0x1];
	p0 =	sne.s32 s2, $0x0  }
0x48: {  	s3 =	rddreg [dreg:$0x2];
	[bflag:$0x3] =	sbarrier.arrive $0xFFFF;
	s2 =	simm.s32 @!p0 $0x1C01  }
0x49: {  	[timem:s3], [sflag:s2] =	dma.local @!p0 [hbm:s0], s1  }
0x4a: {  	s0 =	simm.s32 @!p0 $0x1  }
0x4b: {  	_ =	swait.ge @!p0 [sflag:s0], s1  }
0x4c: {  	s1 =	ssub.s32 @!p0 $0x0, s1;
	[sflag:s0] =	ssyncset.done @!p0 $0x0  }
0x4d: {  	[sflag:s0] =	ssyncadd.s32 @!p0 s1  }
0x4e: {  	[bflag:$0x3] =	sbarrier.arrive $0xFFFF  }
0x4f: {  	_ =	shalt  }

// kernel: gather_offload_async_start
scs
__scs_entry_jumppad:
0x0: {  	(pc) =	sbr.rel $0x88, $3  }
0x1: {  	(tag) =	ssettag $0x0;
	lr =	simm.s32 $0x1  }
0x2: {  	[smem:$0x3FA0] =	sst lr;
	_ =	strace $0xD0000000  }
0x3: {  	_ = 	snop  }
0x4: {  	_ = 	snop  }
0x5: {  	_ = 	snop  }
0x6: {  	_ = 	snop  }
0x7: {  	_ = 	snop  }
__scs_overlays_trampoline_lowered:
0x8: {  	[smem:$0x3FAF] =	sst s0  }
0x9: {  	[smem:$0x3FB0] =	sst s1  }
0xa: {  	[smem:$0x3FB1] =	sst s2  }
0xb: {  	[smem:$0x3FB2] =	sst s3  }
0xc: {  	[smem:$0x3FB3] =	sst s4  }
0xd: {  	[smem:$0x3FB4] =	sst s5  }
0xe: {  	[smem:$0x3FB5] =	sst s6  }
0xf: {  	[smem:$0x3FB6] =	sst s7  }
0x10: {  	[smem:$0x3FB7] =	sst s8  }
0x11: {  	[smem:$0x3FB8] =	sst s9;
	s0 =	simm.s32 @!p0 $0x0  }
0x12: {  	s1 =	sld [smem:$0x3F9E];
	s0 =	simm.s32 @p0 $0x1  }
0x13: {  	[smem:$0x3FB9] =	sst s0;
	s0 =	simm.s32 @!p1 $0x0  }
0x14: {  	s2 =	sld [smem:$0x3F9D];
	s0 =	simm.s32 @p1 $0x1  }
0x15: {  	[smem:$0x3FBA] =	sst s0;
	s0 =	simm.s32 @!p2 $0x0  }
0x16: {  	s3 =	sld [smem:$0x3FDB];
	s0 =	simm.s32 @p2 $0x1  }
0x17: {  	s4 =	simm.s32 $0x1BF5;
	[smem:$0x3FBC] =	sst s0  }
0x18: {  	s0 =	sld [smem:$0x3F9F];
	_ =	swait.ge [sflag:s4], $0x0  }
0x19: {  	s7 =	sld [smem:$0x3FA0]  }
0x1a: {  	s8 =	sadd.s32 $0xFFFFE003, lr  }
0x1b: {  	s9 =	sadd.s32 $0xFFFFFEF7, lr;
	s5 =	simm.s32 $0xFFFFFFFF;
	p2 =	slt.u32 s8, $0xFFFFF086  }
0x1c: {  	p1 =	slt.u32 s9, $0xF7A;
	s5 =	simm.s32 @!p2 $0x0  }
0x1d: {  	s5 =	simm.s32 @p1 $0x1;
	p0 =	seq.s32 s7, s2  }
0x1e: {  	s7 =	smul.u32 @!p0 $0xF7A, s2;
	p2 =	seq.s32 @!p0 s5, $0x0  }
0x1f: {  	s9 =	smul.u32 $0xF7A, s1;
	s8 =	simm.s32 @!p0 $0x1BF5;
	p2 =	por !p2, p0  }
0x20: {  	[sflag:s8] =	ssyncset.s32 @!p0 $0xFFFFF086;
	s6 =	sadd.s32 @!p0 s3, s7;
	s7 =	simm.s32 @!p0 $0x108  }
0x21: {  	s3 =	sadd.s32 s3, s9;
	s6 =	sadd.s32 @!p0 $0x88, s6;
	s7 =	simm.s32 @p2 $0x1082  }
0x22: {  	[simem:s7], [sflag:s8] =	dma.local @!p0 [hbm:s6], $0xF7A  }
0x23: {  	s9 =	sor.u32 $0xD0000000, s2;
	s6 =	simm.s32 $0x108;
	_ =	swait.ge @!p0 [sflag:s8], $0x0  }
0x24: {  	s3 =	sadd.s32 $0x88, s3;
	s6 =	simm.s32 @!p1 $0x1082;
	[sflag:s4] =	ssyncset.s32 $0xFFFFF086  }
0x25: {  	[simem:s6], [sflag:s4] =	dma.local [hbm:s3], $0xF7A  }
0x26: {  	[smem:$0x3FA0] =	sst s1;
	(tag) =	ssettag s2;
	_ =	strace s9  }
0x27: {  	s1 =	sld [smem:$0x3FB0]  }
0x28: {  	s2 =	sld [smem:$0x3FB1]  }
0x29: {  	s4 =	sld [smem:$0x3FB3]  }
0x2a: {  	p0 =	seq.s32 s5, $0x0;
	s5 =	sld [smem:$0x3FB4]  }
0x2b: {  	s6 =	sld [smem:$0x3FB5]  }
0x2c: {  	s7 =	sld [smem:$0x3FB6]  }
0x2d: {  	s3 =	simm.s32 $0x108;
	s8 =	sld [smem:$0x3FB7]  }
0x2e: {  	s3 =	simm.s32 @!p0 $0x1082;
	s9 =	sld [smem:$0x3FB8]  }
0x2f: {  	lr =	sadd.s32 s0, s3;
	s0 =	sld [smem:$0x3FAF]  }
0x30: {  	s3 =	sld [smem:$0x3FB2]  }
0x31: {  	[smem:$0x3FBB] =	sst s10  }
0x32: {  	s10 =	sld [smem:$0x3FB9];
	_ =	sdelay $0x3  }
0x33: {  	p0 =	seq.s32 s10, $0x1;
	s10 =	sld [smem:$0x3FBB];
	_ =	sdelay $0x3  }
0x34: {  	[smem:$0x3FBB] =	sst s10  }
0x35: {  	s10 =	sld [smem:$0x3FBA];
	_ =	sdelay $0x3  }
0x36: {  	p1 =	seq.s32 s10, $0x1;
	s10 =	sld [smem:$0x3FBB];
	_ =	sdelay $0x3  }
0x37: {  	[smem:$0x3FBB] =	sst s10  }
0x38: {  	s10 =	sld [smem:$0x3FBC]  }
0x39: {  	_ = 	snop;
	(pc) =	sbr.ind lr, $3  }
0x3a: {  	_ = 	snop  }
0x3b: {  	_ = 	snop  }
0x3c: {  	p2 =	seq.s32 s10, $0x1;
	s10 =	sld [smem:$0x3FBB]  }
0x3d: {  	_ =	shalt  }
0x3e: {  	_ =	shalt  }
0x3f: {  	_ =	shalt  }
0x40: {  	_ =	shalt  }
0x41: {  	_ =	shalt  }
0x42: {  	_ =	shalt  }
0x43: {  	_ =	shalt  }
0x44: {  	_ =	shalt  }
0x45: {  	_ =	shalt  }
0x46: {  	_ =	shalt  }
0x47: {  	_ =	shalt  }
0x48: {  	_ =	shalt  }
0x49: {  	_ =	shalt  }
0x4a: {  	_ =	shalt  }
0x4b: {  	_ =	shalt  }
0x4c: {  	_ =	shalt  }
0x4d: {  	_ =	shalt  }
0x4e: {  	_ =	shalt  }
0x4f: {  	_ =	shalt  }
0x50: {  	_ =	shalt  }
0x51: {  	_ =	shalt  }
0x52: {  	_ =	shalt  }
0x53: {  	_ =	shalt  }
0x54: {  	_ =	shalt  }
0x55: {  	_ =	shalt  }
0x56: {  	_ =	shalt  }
0x57: {  	_ =	shalt  }
0x58: {  	_ =	shalt  }
0x59: {  	_ =	shalt  }
0x5a: {  	_ =	shalt  }
0x5b: {  	_ =	shalt  }
0x5c: {  	_ =	shalt  }
0x5d: {  	_ =	shalt  }
0x5e: {  	_ =	shalt  }
0x5f: {  	_ =	shalt  }
0x60: {  	_ =	shalt  }
0x61: {  	_ =	shalt  }
0x62: {  	_ =	shalt  }
0x63: {  	_ =	shalt  }
0x64: {  	_ =	shalt  }
0x65: {  	_ =	shalt  }
0x66: {  	_ =	shalt  }
0x67: {  	_ =	shalt  }
0x68: {  	_ =	shalt  }
0x69: {  	_ =	shalt  }
0x6a: {  	_ =	shalt  }
0x6b: {  	_ =	shalt  }
0x6c: {  	_ =	shalt  }
0x6d: {  	_ =	shalt  }
0x6e: {  	_ =	shalt  }
0x6f: {  	_ =	shalt  }
0x70: {  	_ =	shalt  }
0x71: {  	_ =	shalt  }
0x72: {  	_ =	shalt  }
0x73: {  	_ =	shalt  }
0x74: {  	_ =	shalt  }
0x75: {  	_ =	shalt  }
0x76: {  	_ =	shalt  }
0x77: {  	_ =	shalt  }
0x78: {  	_ =	shalt  }
0x79: {  	_ =	shalt  }
0x7a: {  	_ =	shalt  }
0x7b: {  	_ =	shalt  }
0x7c: {  	_ =	shalt  }
0x7d: {  	_ =	shalt  }
0x7e: {  	_ =	shalt  }
0x7f: {  	_ =	shalt  }
0x80: {  	_ =	shalt  }
0x81: {  	_ =	shalt  }
0x82: {  	_ =	shalt  }
0x83: {  	_ =	shalt  }
0x84: {  	_ =	shalt  }
0x85: {  	_ =	shalt  }
0x86: {  	_ =	shalt  }
0x87: {  	_ =	shalt  }
.Lfunc_end0:
.L_simem_size_0:
called_computation.1_lowered:
.L_overlay_start_0:
0x88: {  	s2 =	sld [smem:$0x3FD9]  }
0x89: {  	s3 =	sld [smem:$0x3FFE];
	_ =	sdelay $0x1  }
0x8a: {  	s1 =	srdreg.scid  }
0x8b: {  	s0 =	sand.u32 $0x1, s1  }
0x8c: {  	s17 =	sshll.u32 s0, $0xA;
	s2 =	sadd.s32 s3, s2  }
0x8d: {  	s2 =	sadd.s32 s2, s17  }
0x8e: {  	[smem:$0x3FC7] =	sst s2  }
0x8f: {  	_ = 	snop  }
0x90: {  	s2 =	sld [smem:$0x3FD0];
	(tm) =	ssettm $0x1  }
0x91: {  	s18 =	sld [smem:$0x3FFB];
	_ =	sdelay $0x3  }
0x92: {  	_ =	strace s18  }
0x93: {  	s3 =	sld [smem:$0x3FFC];
	_ =	sdelay $0x3  }
0x94: {  	_ =	strace s3  }
0x95: {  	s3 =	sld [smem:$0x3FFD];
	_ =	sdelay $0x3  }
0x96: {  	_ =	strace s3  }
0x97: {  	_ =	strace $0x8FFFFFFF  }
0x98: {  	s19 =	sld [smem:$0x3FDB];
	_ =	sdelay $0x1  }
0x99: {  	s4 =	simm.s32 $_scs_section_size  }
0x9a: {  	s5 =	simm.s32 $_size__tile_overlayer_lowered;
	s6 =	simm.s32 $_tile_overlayer_lowered  }
0x9b: {  	s22 =	simm.s32 $0x1BFF;
	s21 =	sshll.u32 s6, $0x1;
	s3 =	sadd.s32 s4, s19  }
0x9c: {  	s7 =	simm.s32 $0x0;
	s20 =	sshll.u32 s5, $0x1;
	s5 =	sadd.s32 s21, s3  }
0x9d: {  	[timem:s7], [sflag:s22] =	dma.local [hbm:s5], s20  }
0x9e: {  	_ =	swait.ge [sflag:s22], s20  }
0x9f: {  	s4 =	ssub.s32 $0x0, s20;
	[sflag:s22] =	ssyncset.done $0x0  }
0xa0: {  	[sflag:s22] =	ssyncadd.s32 s4;
	_ =	sdelay $0x1  }
0xa1: {  	s23 =	simm.s32 $0x1B8B  }
0xa2: {  	_ =	swait.ge [sflag:s23], $0x1  }
0xa3: {  	[sflag:s23] =	ssyncset.done $0x0  }
0xa4: {  	s25 =	simm.s32 $0x1B8E;
	s24 =	sld [smem:$0x3FFE];
	[sflag:s23] =	ssyncadd.s32 $0xFFFFFFFF  }
0xa5: {  	s26 =	simm.s32 $execute0_lowered;
	[smem:$0x3FD2] =	sst s25  }
0xa6: {  	s5 =	sshll.u32 s26, $0x1;
	_ =	strace $0x80000046;
	[dreg:$0x1] =	wrdreg $0xFFFFFFFF  }
0xa7: {  	s28 =	simm.s32 $_size_execute0_lowered;
	s3 =	sadd.s32 s3, s5;
	[dreg:$0x0] =	wrdreg $0x0  }
0xa8: {  	s5 =	sshll.u32 s28, $0x1;
	[dreg:$0x2] =	wrdreg s3  }
0xa9: {  	[dreg:$0x3] =	wrdreg s5  }
0xaa: {  	[dreg:$0x4] =	wrdreg $0xC0  }
0xab: {  	_ =	task [dreg:s7], $0x5FFFF  }
0xac: {  	[dreg:$0x1] =	wrdreg $0xFFFFFFFF  }
0xad: {  	[dreg:$0x0] =	wrdreg $0x60  }
0xae: {  	[dreg:$0x2] =	wrdreg s2  }
0xaf: {  	[dreg:$0x3] =	wrdreg s24  }
0xb0: {  	[dreg:$0x4] =	wrdreg $0xA  }
0xb1: {  	_ =	task.clear_ibuf [dreg:s7], $0x5FFFF;
	_ =	strace $0x90000046  }
0xb2: {  	s29 =	simm.s32 $0xA;
	_ =	strace $0x80000048  }
0xb3: {  	_ =	swait.ge [sflag:s29], $0x1  }
0xb4: {  	[sflag:s29] =	ssyncadd.s32 $0xFFFFFFFF  }
0xb5: {  	_ =	strace $0x90000048  }
0xb6: {  	_ =	sfence  }
0xb7: {  	s30 =	sld [smem:$0x0];
	_ =	sdelay $0x2  }
0xb8: {  	s31 =	sshll.u32 s1, $0xD;
	s1 =	sshrl.u32 s1, $0x2  }
0xb9: {  	s3 =	sand.u32 $0x4000, s31;
	s1 =	sadd.s32 s1, s30  }
0xba: {  	s0 =	sor.u32 s3, s0;
	s1 =	sshll.u32 s1, $0x11  }
0xbb: {  	s0 =	sor.u32 s1, s0  }
0xbc: {  	s0 =	sadd.s32 $0x8F2B, s0  }
0xbd: {  	[sflag:s0] =	ssyncadd.remote.s32 $0x1  }
0xbe: {  	_ =	sfence.sel $0xFFFF  }
0xbf: {  	[dreg:$0x0] =	wrdreg $0xFFFFFFFF;
	(pc) =	sbr.abs _section_cstart, $3  }
0xc0: {  	[dreg:$0x1] =	wrdreg $0xFFFFFFFF  }
0xc1: {  	_ =	task.clear_ibuf [dreg:s7], $0x2FFFF;
	_ =	strace $0x9FFFFFFF  }
0xc2: {  	(tm) =	ssettm $0x7FFFFFFF  }
0xc3: {  	_ =	shalt  }
tec
execute0_lowered:
.L_overlay_start_1:
0x0: {  	(tag) =	ssettag $0x1  }
0x1: {  	s2 =	rddreg [dreg:$0x0]  }
0x2: {  	s8 =	rddreg [dreg:$0x1]  }
0x3: {  	s0 =	rddreg [dreg:$0x2];
	s1 =	stileid.u32  }
0x4: {  	s3 =	srdreg.scid;
	_ =	strace $0x80000047;
	s4 =	simm.s32 $0x1  }
0x5: {  	s7 =	simm.s32 $0x1;
	s9 =	simm.s32 $0x1;
	s10 =	simm.s32 $0x3  }
0x6: {  	s13 =	simm.s32 $0x0;
	s5 =	sand.u32 $0x1, s3;
	s6 =	sshll.u32 s1, $0x1  }
0x7: {  	s12 =	simm.s32 $0x0;
	s3 =	sadd.s32 $0x7000, s8;
	s5 =	sor.u32 s6, s5  }
.Ltmp0:
0x8: {  	[sflag:s4] =	ssyncpa.u1 $0x0;
	p0 =	slt.u32 s5, $0x13;
	(pc) =	sbr.rel .LBB2_1-.Ltmp0, $4  }
0x9: {  	s6 =	simm.s32 $0x2;
	s7 =	simm.s32 @!p0 $0x0;
	p0 =	sne.s32 s5, $0x12  }
0xa: {  	[sflag:s6] =	ssyncpa.u1 $0x0;
	s5 =	smul.u32 $0x820, s5;
	s9 =	simm.s32 @!p0 $0x0  }
0xb: {  	s8 =	sadd.s32 $0xA400, s8;
	[sflag:s10] =	ssyncpa.u1 $0x0;
	s7 =	sadd.s32 s9, s7  }
0xc: {  	vm0 =	vmmov $0xffff;
	s10 =	simm.s32 $0x0;
	s11 =	smov.u32 s5;
	s9 =	sadd.s32 $0x1, s7  }
.LBB2_4:
0xd: {  	v2 =	vnsel vm1, $0x0, v2  }
0xe: {  	vm1 =	vgt.s32 v0, $0x0;
	v2 =	vmin.u32 v2, $0x19FFF  }
0xf: {  	v0 =	vnsel vm1, $0x0, v0  }
0x10: {  	v0 =	vmin.u32 v0, $0x19FFF  }
0x11: {  	[tilespmem:s18], [sflag:$0x1] =	stream.indirect_vreg.gather [hbm4b:s2+s10], $0x1, v1, vm0, $0x4038;
	[tilespmem:$0x2080] =	vst v63  }
0x12: {  	(ifvalue) =	ssetifvalue $0x7FFFFFFF  }
0x13: {  	[tilespmem:s15], [sflag:$0x1] =	stream.indirect_vreg.gather [hbm4b:s2+s10], $0x1, v2, vm0, $0x4038;
	[tilespmem:$0x2080] =	vst v63  }
0x14: {  	s29 =	sadd.s32 $0x10, s15;
	(ifvalue) =	ssetifvalue $0x7FFFFFFF  }
0x15: {  	[tilespmem:s29], [sflag:$0x1] =	stream.indirect_vreg.gather [hbm4b:s2+s10], $0x1, v0, vm0, $0x4038;
	[tilespmem:$0x2080] =	vst v63  }
0x16: {  	_ =	swait.ge [sflag:s4], $0x820  }
0x17: {  	s30 =	sshrl.u32 s13, $0x3;
	[sflag:s4] =	ssyncset.done $0x0  }
0x18: {  	s31 =	sand.u32 $0x7, s13;
	s15 =	sadd.s32 s8, s30;
	[sflag:s4] =	ssyncadd.s32 $0xFFFFF7E0  }
0x19: {  	[hbm4b:s15+s31] =	stream.linear.scatter [tilespmem:s14], [sflag:$0x3], $0x820, $0x38;
	[tilespmem:$0x2080] =	vst v63  }
.LBB2_5:
0x1a: {  	s15 =	sadd.s32 $0x10400, s11  }
0x1b: {  	p1 =	sgt.s32 s15, $0x1963F  }
0x1c: {  	s15 =	smov.u32 @p1 s5;
	p1 =	sne.s32 s12, s9  }
.Ltmp1:
0x1d: {  	p0 =	slt.u32 s12, $0x2;
	(pc) =	sbr.rel @!p1 .LBB2_6-.Ltmp1, $4  }
0x1e: {  	s14 =	simm.s32 @!p0 $0x3  }
0x1f: {  	_ =	swait.ge @!p0 [sflag:s14], $0x820  }
0x20: {  	s16 =	sadd.s32 $0x1, s12;
	s13 =	smov.u32 s11;
	[sflag:s14] =	ssyncset.done @!p0 $0x0  }
0x21: {  	s12 =	smov.u32 s16;
	s11 =	smov.u32 s15;
	[sflag:s14] =	ssyncadd.s32 @!p0 $0xFFFFF7E0  }
.LBB2_1:
0x22: {  	p0 =	sge.u32 s12, s7  }
0x23: {  	s14 =	sxor.u32 @!p0 $0x1, s12  }
0x24: {  	s14 =	smul.u32 @!p0 $0x2080, s14  }
0x25: {  	s31 =	sadd.s32 $0xFFFFFFFF, s12;
	s15 =	sshrl.u32 @!p0 s11, $0x3  }
0x26: {  	s16 =	sand.u32 @!p0 $0x7, s11;
	s15 =	sadd.s32 @!p0 s3, s15;
	s14 =	sshra.s32 @!p0 s14, $0x2  }
0x27: {  	[tilespmem:s14], [sflag:$0x2] =	stream.linear.gather @!p0 [hbm4b:s15+s16], $0x820, $0x38;
	[tilespmem:$0x2080] =	vst v63  }
0x28: {  	p0 =	sge.u32 s31, s7  }
.Ltmp2:
0x29: {  	_ = 	snop;
	(pc) =	sbr.rel @p0 .LBB2_5-.Ltmp2, $1  }
0x2a: {  	_ =	sdelay $0x3  }
0x2b: {  	s14 =	sand.u32 $0x1, s12  }
0x2c: {  	_ =	swait.ge [sflag:s6], $0x820;
	p0 =	seq.s32 s14, $0x1;
	s14 =	simm.s32 $0x820  }
0x2d: {  	[sflag:s6] =	ssyncset.done $0x0;
	s14 =	simm.s32 @!p0 $0x0  }
0x2e: {  	[sflag:s6] =	ssyncadd.s32 $0xFFFFF7E0;
	(ifvalue) =	ssetifvalue $0x7FFFFFFF;
	v0 =	vld.msk [tilespmem:s14+$0x0 ss:$0x1], $0xffff;
	_ =	sdelay $0x4  }
0x2f: {  	s15 =	sadd.s32 $0x10, s14;
	vm1 =	vgt.s32 v0, $0x0  }
0x30: {  	v2 =	vld.msk [tilespmem:s15+$0x0 ss:$0x1], $0xffff;
	v1 =	vnsel vm1, $0x0, v0  }
0x31: {  	v1 =	vmin.u32 v1, $0x19FFF;
	_ =	sdelay $0x2  }
0x32: {  	s17 =	simm.s32 $0x20;
	s14 =	sor.u32 $0x1040, s14;
	s16 =	sadd.s32 $0x10, s15  }
0x33: {  	s15 =	sadd.s32 $0x10, s14;
	s18 =	smov.u32 s14;
	v0 =	vld.msk [tilespmem:s16+$0x0 ss:$0x1], $0xffff;
	vm1 =	vgt.s32 v2, $0x0;
	(ifvalue) =	ssetifvalue $0x7FFFFFFF  }
.LBB2_3:
0x34: {  	[tilespmem:s18], [sflag:$0x1] =	stream.indirect_vreg.gather [hbm4b:s2+s10], $0x1, v1, vm0, $0x4038;
	[tilespmem:$0x2080] =	vst v63  }
0x35: {  	s17 =	sadd.s32 $0x10, s17  }
0x36: {  	v2 =	vnsel vm1, $0x0, v2;
	p0 =	slt.u32 s17, $0x810  }
.Ltmp3:
0x37: {  	s18 =	smov.u32 s15;
	v1 =	vmin.u32 v2, $0x19FFF;
	(pc) =	sbr.rel @p0 .LBB2_3-.Ltmp3, $3  }
0x38: {  	_ =	sdelay $0x1  }
0x39: {  	s16 =	sadd.s32 $0x10, s16  }
0x3a: {  	vm1 =	vgt.s32 v0, $0x0;
	s15 =	sadd.s32 $0x10, s15;
	v2 =	vmov v0;
	(ifvalue) =	ssetifvalue $0x7FFFFFFF;
	v0 =	vld.msk [tilespmem:s16+$0x0 ss:$0x1], $0xffff  }
.Ltmp4:
0x3b: {  	_ = 	snop;
	(pc) =	sbr.rel .LBB2_4-.Ltmp4, $1  }
0x3c: {  	_ =	sdelay $0x3  }
.LBB2_6:
0x3d: {  	_ =	sfence.sel $0x180000  }
0x3e: {  	s2 =	simm.s32 $0x2;
	[bflag:$0x0] =	sbarrier.arrive $0xFFFF  }
0x3f: {  	s30 =	simm.s32 $0x3;
	[sflag:s2] =	ssyncpa.u1 $0x1  }
0x40: {  	s31 =	simm.s32 $0x1;
	[sflag:s30] =	ssyncpa.u1 $0x1  }
0x41: {  	[sflag:s31] =	ssyncpa.u1 $0x1  }
0x42: {  	p0 =	sne.s32 s1, $0x0;
	_ =	strace $0x90000047  }
0x43: {  	s0 =	sadd.s32 @!p0 $0x100000, s0;
	[bflag:$0x2] =	sbarrier.arrive $0xFFFF  }
0x44: {  	[sflag:s0] =	ssyncadd.tile.s32 @!p0 $0x1;
	_ =	shalt  }
.Lfunc_end2:
_tile_overlayer_lowered:
.L_overlay_start_2:
0x45: {  	(tag) =	ssettag $0x2  }
0x46: {  	s0 =	rddreg [dreg:$0x0];
	s2 =	stileid.u32  }
0x47: {  	s1 =	rddreg [dreg:$0x1];
	p0 =	sne.s32 s2, $0x0  }
0x48: {  	s3 =	rddreg [dreg:$0x2];
	[bflag:$0x3] =	sbarrier.arrive $0xFFFF;
	s2 =	simm.s32 @!p0 $0x1C01  }
0x49: {  	[timem:s3], [sflag:s2] =	dma.local @!p0 [hbm:s0], s1  }
0x4a: {  	s0 =	simm.s32 @!p0 $0x1  }
0x4b: {  	_ =	swait.ge @!p0 [sflag:s0], s1  }
0x4c: {  	s1 =	ssub.s32 @!p0 $0x0, s1;
	[sflag:s0] =	ssyncset.done @!p0 $0x0  }
0x4d: {  	[sflag:s0] =	ssyncadd.s32 @!p0 s1  }
0x4e: {  	[bflag:$0x3] =	sbarrier.arrive $0xFFFF  }
0x4f: {  	_ =	shalt  }

// kernel: sparse-core-data-format-call.cloned.1.call-start
scs
called_computation_lowered:
.L_overlay_start_0:
0x0: {  	s2 =	sld [smem:$0x3FD9]  }
0x1: {  	s3 =	sld [smem:$0x3FFE];
	_ =	sdelay $0x1  }
0x2: {  	s1 =	srdreg.scid  }
0x3: {  	s0 =	sand.u32 $0x1, s1  }
0x4: {  	s18 =	sshll.u32 s0, $0xA;
	s2 =	sadd.s32 s3, s2  }
0x5: {  	s2 =	sadd.s32 s2, s18  }
0x6: {  	[smem:$0x3FC7] =	sst s2  }
0x7: {  	_ = 	snop  }
0x8: {  	s2 =	sld [smem:$0x3FD0];
	(tm) =	ssettm $0x1  }
0x9: {  	s19 =	sld [smem:$0x3FFB];
	_ =	sdelay $0x3  }
0xa: {  	_ =	strace s19  }
0xb: {  	s3 =	sld [smem:$0x3FFC];
	_ =	sdelay $0x3  }
0xc: {  	_ =	strace s3  }
0xd: {  	s3 =	sld [smem:$0x3FFD];
	_ =	sdelay $0x3  }
0xe: {  	_ =	strace s3  }
0xf: {  	_ =	strace $0x8FFFFFFF  }
0x10: {  	s20 =	sld [smem:$0x3FDB];
	_ =	sdelay $0x1  }
0x11: {  	s4 =	simm.s32 $_scs_section_size  }
0x12: {  	s5 =	simm.s32 $_size__tile_overlayer_lowered;
	s6 =	simm.s32 $_tile_overlayer_lowered  }
0x13: {  	s23 =	simm.s32 $0x1BFF;
	s22 =	sshll.u32 s6, $0x1;
	s3 =	sadd.s32 s4, s20  }
0x14: {  	s7 =	simm.s32 $0x0;
	s21 =	sshll.u32 s5, $0x1;
	s5 =	sadd.s32 s22, s3  }
0x15: {  	[timem:s7], [sflag:s23] =	dma.local [hbm:s5], s21  }
0x16: {  	_ =	swait.ge [sflag:s23], s21  }
0x17: {  	s4 =	ssub.s32 $0x0, s21;
	[sflag:s23] =	ssyncset.done $0x0  }
0x18: {  	[sflag:s23] =	ssyncadd.s32 s4;
	_ =	sdelay $0x1  }
0x19: {  	s24 =	simm.s32 $0x1B8B  }
0x1a: {  	_ =	swait.ge [sflag:s24], $0x1  }
0x1b: {  	[sflag:s24] =	ssyncset.done $0x0  }
0x1c: {  	s26 =	simm.s32 $0x1B8E;
	s25 =	sld [smem:$0x3FFE];
	[sflag:s24] =	ssyncadd.s32 $0xFFFFFFFF  }
0x1d: {  	s27 =	simm.s32 $execute0_lowered;
	[smem:$0x3FD2] =	sst s26  }
0x1e: {  	s5 =	sshll.u32 s27, $0x1;
	_ =	strace $0x8000004F;
	[dreg:$0x1] =	wrdreg $0xFFFFFFFF  }
0x1f: {  	s28 =	simm.s32 $_size_execute0_lowered;
	s3 =	sadd.s32 s3, s5;
	[dreg:$0x0] =	wrdreg $0x0  }
0x20: {  	s5 =	sshll.u32 s28, $0x1;
	[dreg:$0x2] =	wrdreg s3  }
0x21: {  	[dreg:$0x3] =	wrdreg s5  }
0x22: {  	[dreg:$0x4] =	wrdreg $0xC0  }
0x23: {  	_ =	task [dreg:s7], $0x5FFFF  }
0x24: {  	[dreg:$0x1] =	wrdreg $0xFFFFFFFF  }
0x25: {  	[dreg:$0x0] =	wrdreg $0x60  }
0x26: {  	[dreg:$0x2] =	wrdreg s25  }
0x27: {  	[dreg:$0x3] =	wrdreg s2  }
0x28: {  	[dreg:$0x4] =	wrdreg $0x9  }
0x29: {  	_ =	task.clear_ibuf [dreg:s7], $0x5FFFF;
	_ =	strace $0x9000004F  }
0x2a: {  	s29 =	simm.s32 $0x9;
	_ =	strace $0x80000051  }
0x2b: {  	_ =	swait.ge [sflag:s29], $0x1  }
0x2c: {  	[sflag:s29] =	ssyncadd.s32 $0xFFFFFFFF  }
0x2d: {  	_ =	strace $0x90000051  }
0x2e: {  	_ =	sfence  }
0x2f: {  	s30 =	sld [smem:$0x0];
	_ =	sdelay $0x2  }
0x30: {  	s31 =	sshll.u32 s1, $0xD;
	s1 =	sshrl.u32 s1, $0x2  }
0x31: {  	s3 =	sand.u32 $0x4000, s31;
	s1 =	sadd.s32 s1, s30  }
0x32: {  	s0 =	sor.u32 s3, s0;
	s1 =	sshll.u32 s1, $0x11  }
0x33: {  	s0 =	sor.u32 s1, s0  }
0x34: {  	s0 =	sadd.s32 $0x8F2B, s0  }
0x35: {  	[sflag:s0] =	ssyncadd.remote.s32 $0x1  }
0x36: {  	_ =	sfence.sel $0xFFFF  }
0x37: {  	[dreg:$0x0] =	wrdreg $0xFFFFFFFF;
	(pc) =	sbr.abs _section_cstart, $3  }
0x38: {  	[dreg:$0x1] =	wrdreg $0xFFFFFFFF  }
0x39: {  	_ =	task.clear_ibuf [dreg:s7], $0x2FFFF;
	_ =	strace $0x9FFFFFFF  }
0x3a: {  	(tm) =	ssettm $0x7FFFFFFF  }
0x3b: {  	_ =	shalt  }
tec
execute0_lowered:
.L_overlay_start_1:
0x0: {  	(tag) =	ssettag $0x1  }
0x1: {  	s0 =	srdreg.scid;
	s6 =	rddreg [dreg:$0x0]  }
0x2: {  	s3 =	rddreg [dreg:$0x1];
	s1 =	sshll.u32 s0, $0x4  }
0x3: {  	s5 =	simm.s32 $0x1;
	s0 =	stileid.u32;
	s1 =	sand.u32 $0x10, s1  }
0x4: {  	s31 =	simm.s32 $0x2;
	s16 =	simm.s32 $0x0;
	s1 =	sor.u32 s0, s1  }
0x5: {  	s8 =	simm.s32 $0x8000;
	s18 =	simm.s32 $0x0;
	s2 =	sshll.u32 s1, $0x7  }
0x6: {  	s17 =	simm.s32 $0x0;
	s9 =	simm.s32 $0x0;
	s4 =	ssub.s32 $0x1000, s2  }
0x7: {  	s10 =	simm.s32 $0x0;
	s11 =	simm.s32 $0x0;
	s30 =	sand.u32 $0xF80, s4  }
0x8: {  	s12 =	simm.s32 $0x0;
	s13 =	simm.s32 $0x0;
	p0 =	sne.s32 s30, $0x0  }
.Ltmp0:
0x9: {  	s7 =	sshrl.u32 s4, $0xC;
	s5 =	simm.s32 @!p0 $0x0;
	(pc) =	sbr.rel .LBB1_1-.Ltmp0, $4  }
0xa: {  	s15 =	simm.s32 $0x0;
	s1 =	rddreg [dreg:$0x2];
	s5 =	sadd.s32 s5, s7  }
0xb: {  	_ =	strace $0x80000050;
	s4 =	simm.s32 $0x1;
	s5 =	smul.u32 $0xD0, s5  }
0xc: {  	s6 =	sadd.s32 $0xCB2800, s6;
	s14 =	smov.u32 s2;
	[sflag:s4] =	ssyncpa.u1 $0x0  }
0xd: {  	[sflag:s31] =	ssyncpa.u1 $0x0;
	p0 =	por $0x0, $0x0;
	s7 =	sor.u32 $0x1, s5  }
.LBB1_4:
0xe: {  	s23 =	sshra.s32 s23, $0x2;
	s30 =	sshll.u32 s9, $0xC  }
0xf: {  	p1 =	sgt.s32 s10, $0x19;
	s24 =	smov.u32 s10;
	s25 =	sshra.s32 s10, $0x1F  }
0x10: {  	s26 =	sshll.u32 s11, $0x3;
	s28 =	smov.u32 s11;
	s29 =	sshra.s32 s11, $0x1F  }
0x11: {  	s22 =	sadd.s32 s23, s22;
	s24 =	simm.s32 @!p1 $0x19;
	s25 =	sand.u32 s25, s10  }
0x12: {  	s23 =	sand.u32 $0xFFFF8000, s30;
	s27 =	sand.u32 $0xFFFFFC00, s26;
	p1 =	sgt.s32 s9, $0x368  }
0x13: {  	s31 =	sand.u32 s29, s11;
	s29 =	sshll.u32 s9, $0x7;
	s30 =	sshra.s32 s9, $0x1F  }
0x14: {  	[tilespmem:s21+$0x2040 ss:$0x81] =	vst.msk $0xffff, v4;
	s24 =	ssub.s32 s24, s25;
	s23 =	sadd.s32 s27, s23;
	s27 =	smov.u32 s9  }
0x15: {  	[tilespmem:s21+$0x2850 ss:$0x81] =	vst.msk $0xffff, v3;
	s29 =	sand.u32 $0x380, s29;
	s25 =	sadd.s32 $0xFFFFFFE7, s24;
	s27 =	simm.s32 @!p1 $0x368  }
0x16: {  	v5 =	vld [tilespmem:s20+$0xFFFFFFD0];
	[tilespmem:s21+$0x3060 ss:$0x81] =	vst.msk $0xffff, v2;
	p1 =	sgt.s32 s11, $0xF80;
	s23 =	sshrl.u32 s23, $0xC;
	s24 =	ssub.s32 $0x1A, s24  }
0x17: {  	v58 =	vld [tilespmem:s20+$0xFFFFFFE0];
	[tilespmem:s21+$0x0 ss:$0x81] =	vst.msk $0xffff, v1;
	s28 =	simm.s32 @!p1 $0xF80;
	p1 =	sgt.s32 s25, $0x0;
	s21 =	smulhi.u32 $0x418938, s23  }
0x18: {  	v59 =	vld [tilespmem:s20+$0xFFFFFFF0];
	s25 =	ssub.s32 s28, s31;
	s28 =	sand.u32 s30, s9;
	s24 =	simm.s32 @p1 $0x0  }
0x19: {  	v60 =	vld [tilespmem:s20+$0x0];
	s27 =	ssub.s32 s27, s28;
	s31 =	sadd.s32 $0xFFFFF080, s25;
	s25 =	ssub.s32 $0x1000, s25  }
0x1a: {  	v61 =	vld [tilespmem:s20+$0x10];
	[tilespmem:s22+$0x3870 ss:$0x81] =	vst.msk $0xffff, v0;
	s21 =	smul.u32 $0x3E8, s21;
	s28 =	sand.u32 $0x7, s11;
	p1 =	sgt.s32 s31, $0x7F  }
0x1b: {  	v62 =	vld [tilespmem:s20+$0x20];
	[tilespmem:s22+$0x810 ss:$0x81] =	vst.msk $0xffff, v5;
	s30 =	sadd.s32 $0xFFFFFC98, s27;
	s31 =	sand.u32 $0x78, s11;
	s25 =	simm.s32 @p1 $0x0  }
0x1c: {  	v63 =	vld [tilespmem:s20+$0xFFFFFFC0];
	[tilespmem:s22+$0x1020 ss:$0x81] =	vst.msk $0xffff, v58;
	p1 =	sgt.s32 s30, $0x7F;
	s30 =	sand.u32 $0xC00, s26;
	s24 =	smul.u32 s25, s24  }
0x1d: {  	[tilespmem:s22+$0x1830 ss:$0x81] =	vst.msk $0xffff, v59;
	s26 =	ssub.s32 $0x3E8, s27;
	s20 =	sor.u32 s31, s30;
	s31 =	smul.u32 $0x7D000, s10  }
0x1e: {  	[tilespmem:s22+$0x2040 ss:$0x81] =	vst.msk $0xffff, v60;
	s21 =	ssub.s32 s23, s21;
	s26 =	simm.s32 @p1 $0x0;
	s20 =	sor.u32 s29, s20  }
0x1f: {  	[tilespmem:s22+$0x2850 ss:$0x81] =	vst.msk $0xffff, v61;
	s26 =	smul.u32 s26, s24;
	s20 =	sshrl.u32 s20, $0x3;
	s27 =	sadd.s32 s3, s31  }
0x20: {  	[tilespmem:s22+$0x3060 ss:$0x81] =	vst.msk $0xffff, v62;
	s21 =	sshll.u32 s21, $0x9;
	s29 =	sshll.u32 s28, $0x12;
	s20 =	sadd.s32 s20, s27  }
0x21: {  	[tilespmem:s22+$0x0 ss:$0x81] =	vst.msk $0xffff, v63;
	s31 =	sor.u32 $0x400, s29;
	s30 =	sand.u32 $0x3FFFFFFF, s26;
	s20 =	sadd.s32 s21, s20  }
0x22: {  	[hbm4b:s20+s31] =	stream.strided.scatter [tilespmem:s19], [sflag:$0x2], s30, s8, s31, $0x20;
	[tilespmem:$0x10100] =	vst v63  }
.LBB1_5:
0x23: {  	p1 =	slt.u32 s15, $0x2  }
0x24: {  	p2 =	sgt.s32 @!p1 s18, $0x19  }
0x25: {  	s19 =	smov.u32 s18;
	s20 =	sshra.s32 @!p1 s18, $0x1F;
	p2 =	por !p2, p1  }
0x26: {  	s18 =	sand.u32 @!p1 s20, s18;
	s19 =	simm.s32 @p2 $0x19  }
0x27: {  	p3 =	sgt.s32 @!p1 s16, $0x368;
	s18 =	ssub.s32 @!p1 s19, s18  }
0x28: {  	p4 =	sgt.s32 @!p1 s17, $0xF80;
	s21 =	sshra.s32 @!p1 s17, $0x1F;
	s19 =	sadd.s32 @!p1 $0xFFFFFFE7, s18  }
0x29: {  	s20 =	smov.u32 s16;
	p2 =	sgt.s32 @!p1 s19, $0x0;
	s19 =	sshra.s32 @!p1 s16, $0x1F  }
0x2a: {  	p4 =	por !p4, p1;
	s16 =	sand.u32 @!p1 s19, s16;
	s19 =	smov.u32 s17  }
0x2b: {  	p3 =	por !p3, p1;
	s17 =	sand.u32 @!p1 s21, s17;
	s19 =	simm.s32 @p4 $0xF80  }
0x2c: {  	s20 =	simm.s32 @p3 $0x368;
	s18 =	ssub.s32 @!p1 $0x1A, s18;
	s17 =	ssub.s32 @!p1 s19, s17  }
0x2d: {  	p2 =	por !p2, p1;
	s16 =	ssub.s32 @!p1 s20, s16;
	s20 =	sadd.s32 @!p1 $0xFFFFF080, s17  }
0x2e: {  	s18 =	simm.s32 @!p2 $0x0;
	p3 =	sgt.s32 @!p1 s20, $0x7F  }
0x2f: {  	s19 =	sadd.s32 @!p1 $0xFFFFFC98, s16;
	s17 =	ssub.s32 @!p1 $0x1000, s17;
	p3 =	por !p3, p1  }
0x30: {  	p2 =	sgt.s32 @!p1 s19, $0x7F;
	s19 =	sadd.s32 $0x80, s12;
	s17 =	simm.s32 @!p3 $0x0  }
0x31: {  	p3 =	sgt.s32 s19, $0x3E7;
	s17 =	smul.u32 @!p1 s17, s18;
	s18 =	simm.s32 $0x1  }
0x32: {  	s16 =	ssub.s32 @!p1 $0x3E8, s16;
	p2 =	por !p2, p1;
	s18 =	simm.s32 @!p3 $0x0  }
0x33: {  	s21 =	smov.u32 s14;
	s16 =	simm.s32 @!p2 $0x0;
	s20 =	sadd.s32 s18, s13  }
0x34: {  	s16 =	smul.u32 @!p1 s16, s17;
	s17 =	sadd.s32 $0x1000, s14;
	p2 =	sgt.s32 s20, $0x19  }
0x35: {  	p0 =	por !p0, !p0;
	s22 =	simm.s32 @!p1 $0x2;
	s21 =	smov.u32 @p2 s17  }
0x36: {  	s19 =	simm.s32 @p3 $0x0;
	s20 =	simm.s32 @p2 $0x0;
	p2 =	sgt.s32 s21, $0xFFF  }
0x37: {  	s18 =	smov.u32 s10;
	s21 =	smov.u32 @p2 s2;
	p2 =	sne.s32 s15, s7  }
.Ltmp1:
0x38: {  	s10 =	smov.u32 s13;
	s16 =	sand.u32 @!p1 $0x3FFFFFFF, s16;
	(pc) =	sbr.rel @!p2 .LBB1_6-.Ltmp1, $4  }
0x39: {  	s17 =	smov.u32 s11;
	s11 =	smov.u32 s14;
	_ =	swait.ge @!p1 [sflag:s22], s16  }
0x3a: {  	s23 =	ssub.s32 @!p1 $0x0, s16;
	s16 =	smov.u32 s9;
	s9 =	smov.u32 s12  }
0x3b: {  	s12 =	smov.u32 s19;
	s13 =	smov.u32 s20;
	[sflag:s22] =	ssyncset.done @!p1 $0x0  }
0x3c: {  	s15 =	sadd.s32 $0x1, s15;
	[sflag:s22] =	ssyncadd.s32 @!p1 s23;
	s14 =	smov.u32 s21  }
.LBB1_1:
0x3d: {  	p1 =	sge.u32 s15, s5  }
0x3e: {  	s31 =	sadd.s32 $0xFFFFFFFF, s15;
	s19 =	sshll.u32 @!p1 s13, $0x7  }
0x3f: {  	s20 =	sxor.u32 @!p1 $0xFFFFFFFF, s15;
	s21 =	sand.u32 @!p1 $0x78, s12;
	s22 =	sand.u32 @!p1 $0x380, s19  }
0x40: {  	s20 =	sshll.u32 @!p1 s20, $0xE;
	s21 =	sor.u32 @!p1 s21, s22;
	s22 =	sshll.u32 @!p1 s14, $0xC  }
0x41: {  	s19 =	sand.u32 @!p1 $0xC00, s19;
	s21 =	sshrl.u32 @!p1 s21, $0x3;
	s22 =	sadd.s32 @!p1 s6, s22  }
0x42: {  	s19 =	sadd.s32 @!p1 s12, s19;
	s21 =	sadd.s32 @!p1 s21, s22;
	s22 =	sand.u32 @!p1 $0x7, s12  }
0x43: {  	s20 =	sand.u32 @!p1 $0x4000, s20;
	s19 =	sand.u32 @!p1 $0xF80, s19;
	s22 =	sshll.u32 @!p1 s22, $0x12  }
0x44: {  	s19 =	sadd.s32 @!p1 s19, s21;
	s21 =	sor.u32 @!p1 $0x80, s22;
	s22 =	simm.s32 @!p1 $0x8000  }
0x45: {  	[tilespmem:s20], [sflag:$0x1] =	stream.strided.gather @!p1 [hbm4b:s19+s21], $0x4000, s22, s21, $0x38;
	[tilespmem:$0x10100] =	vst v63  }
0x46: {  	p1 =	sge.u32 s31, s5  }
.Ltmp2:
0x47: {  	_ = 	snop;
	(pc) =	sbr.rel @p1 .LBB1_5-.Ltmp2, $1  }
0x48: {  	_ =	sdelay $0x3  }
0x49: {  	s19 =	simm.s32 $0x1  }
0x4a: {  	_ =	swait.ge [sflag:s4], $0x4000;
	s19 =	simm.s32 @!p0 $0x0  }
0x4b: {  	[sflag:s4] =	ssyncset.done $0x0;
	s20 =	sshll.u32 s19, $0xE  }
0x4c: {  	[sflag:s4] =	ssyncadd.s32 $0xFFFFC000;
	s20 =	sor.u32 $0x40, s20  }
0x4d: {  	s19 =	smul.u32 $0x10200, s19;
	v0 =	vld [tilespmem:s20+$0x30]  }
0x4e: {  	v1 =	vld [tilespmem:s20+$0xFFFFFFD0]  }
0x4f: {  	s19 =	sshrl.u32 s19, $0x2;
	v5 =	vld [tilespmem:s20+$0xFFFFFFE0]  }
0x50: {  	v6 =	vld [tilespmem:s20+$0xFFFFFFF0];
	s22 =	sor.u32 $0x8000, s19  }
0x51: {  	s31 =	sand.u32 $0x1, s15;
	v4 =	vld [tilespmem:s20+$0x0];
	s21 =	sadd.s32 $0x0, s22  }
0x52: {  	v3 =	vld [tilespmem:s20+$0x10];
	s19 =	smul.u32 $0x10200, s31;
	[tilespmem:s21+$0x3870 ss:$0x81] =	vst.msk $0xffff, v0  }
0x53: {  	v2 =	vld [tilespmem:s20+$0x20];
	[tilespmem:s21+$0x810 ss:$0x81] =	vst.msk $0xffff, v1  }
0x54: {  	s19 =	sshrl.u32 s19, $0x2;
	v1 =	vld [tilespmem:s20+$0xFFFFFFC0];
	[tilespmem:s21+$0x1020 ss:$0x81] =	vst.msk $0xffff, v5;
	s20 =	sadd.s32 $0x80, s20  }
0x55: {  	s23 =	simm.s32 $0x4;
	s24 =	simm.s32 $0x8;
	s19 =	sor.u32 $0x8000, s19;
	[tilespmem:s21+$0x1830 ss:$0x81] =	vst.msk $0xffff, v6;
	v0 =	vld [tilespmem:s20+$0x30]  }
.LBB1_3:
0x56: {  	p1 =	sne.s32 s24, $0x1FC;
	v5 =	vld [tilespmem:s20+$0xFFFFFFD0];
	[tilespmem:s21+$0x2040 ss:$0x81] =	vst.msk $0xffff, v4  }
0x57: {  	v6 =	vld [tilespmem:s20+$0xFFFFFFE0];
	[tilespmem:s21+$0x2850 ss:$0x81] =	vst.msk $0xffff, v3  }
0x58: {  	s25 =	sshra.s32 s23, $0x2;
	s23 =	smov.u32 s24;
	v7 =	vld [tilespmem:s20+$0xFFFFFFF0];
	[tilespmem:s21+$0x3060 ss:$0x81] =	vst.msk $0xffff, v2  }
.Ltmp3:
0x59: {  	v4 =	vld [tilespmem:s20+$0x0];
	[tilespmem:s21+$0x0 ss:$0x81] =	vst.msk $0xffff, v1;
	s21 =	sadd.s32 s25, s22;
	(pc) =	sbr.rel @p1 .LBB1_3-.Ltmp3, $4  }
0x5a: {  	v3 =	vld [tilespmem:s20+$0x10];
	[tilespmem:s21+$0x3870 ss:$0x81] =	vst.msk $0xffff, v0  }
0x5b: {  	[tilespmem:s21+$0x810 ss:$0x81] =	vst.msk $0xffff, v5;
	v2 =	vld [tilespmem:s20+$0x20]  }
0x5c: {  	v1 =	vld [tilespmem:s20+$0xFFFFFFC0];
	[tilespmem:s21+$0x1020 ss:$0x81] =	vst.msk $0xffff, v6;
	s20 =	sadd.s32 $0x80, s20  }
0x5d: {  	s24 =	sadd.s32 $0x4, s24;
	v0 =	vld [tilespmem:s20+$0x30];
	[tilespmem:s21+$0x1830 ss:$0x81] =	vst.msk $0xffff, v7  }
.Ltmp4:
0x5e: {  	_ = 	snop;
	(pc) =	sbr.rel .LBB1_4-.Ltmp4, $1  }
0x5f: {  	_ =	sdelay $0x3  }
.LBB1_6:
0x60: {  	_ =	sfence.sel $0x180000  }
0x61: {  	s2 =	simm.s32 $0x1;
	[bflag:$0x0] =	sbarrier.arrive $0xFFFF  }
0x62: {  	s31 =	simm.s32 $0x2;
	[sflag:s2] =	ssyncpa.u1 $0x1  }
0x63: {  	[sflag:s31] =	ssyncpa.u1 $0x1  }
0x64: {  	p0 =	sne.s32 s0, $0x0;
	_ =	strace $0x90000050  }
0x65: {  	s0 =	sadd.s32 @!p0 $0x100000, s1;
	[bflag:$0x2] =	sbarrier.arrive $0xFFFF  }
0x66: {  	[sflag:s0] =	ssyncadd.tile.s32 @!p0 $0x1;
	_ =	shalt  }
.Lfunc_end1:
_tile_overlayer_lowered:
.L_overlay_start_2:
0x67: {  	(tag) =	ssettag $0x2  }
0x68: {  	s0 =	rddreg [dreg:$0x0];
	s2 =	stileid.u32  }
0x69: {  	s1 =	rddreg [dreg:$0x1];
	p0 =	sne.s32 s2, $0x0  }
0x6a: {  	s3 =	rddreg [dreg:$0x2];
	[bflag:$0x3] =	sbarrier.arrive $0xFFFF;
	s2 =	simm.s32 @!p0 $0x1C01  }
0x6b: {  	[timem:s3], [sflag:s2] =	dma.local @!p0 [hbm:s0], s1  }
0x6c: {  	s0 =	simm.s32 @!p0 $0x1  }
0x6d: {  	_ =	swait.ge @!p0 [sflag:s0], s1  }
0x6e: {  	s1 =	ssub.s32 @!p0 $0x0, s1;
	[sflag:s0] =	ssyncset.done @!p0 $0x0  }
0x6f: {  	[sflag:s0] =	ssyncadd.s32 @!p0 s1  }
0x70: {  	[bflag:$0x3] =	sbarrier.arrive $0xFFFF  }
0x71: {  	_ =	shalt  }

</sc_bundles>
